<compile_context>
chip_gen: v7x
topology: tpu7x:2x2x1
jax: 0.10.2.dev20260603
libtpu: 0.0.44.dev20260713+nightly
codegen_flags: <defaults>
</compile_context>

<pallas_src>
import jax
import jax.numpy as jnp
from jax import lax
from jax.experimental import pallas as pl
from jax.experimental.pallas import tpu as pltpu
from jax.experimental.pallas import tpu_sc as plsc

_B, _S = 16, 2048
_ON, _OL = 32, 64
_DELIM, _PAD = 1, 0
_L = 16
_ROW_LEN = _S + _L


def _split_body(x_hbm, otp_hbm, lend_hbm, mask_hbm,
                row_v, beg_v, out_v, msk_v, docs_sh, tmp_v, sem_out, sem_msk):
    cid = lax.axis_index("c")
    sid = lax.axis_index("s")
    row = cid * 8 + sid // 2
    half = sid % 2

    if True:
        lane = lax.broadcasted_iota(jnp.int32, (_L,), 0)
        _H = _S // 2
        c_lo = pltpu.async_copy(x_hbm.at[row, pl.ds(0, _H)],
                                row_v.at[pl.ds(0, _H)], sem_out)
        c_hi = pltpu.async_copy(x_hbm.at[row, pl.ds(_H, _H)],
                                row_v.at[pl.ds(_H, _H)], sem_msk)
        row_v[pl.ds(_S, _L)] = jnp.where(lane == 0, _DELIM, _PAD)
        beg_v[pl.ds(0, _L)] = jnp.where(lane == 0, 0, _S + 1)
        beg_v[pl.ds(_L, _L)] = jnp.full((_L,), _S + 1, jnp.int32)
        beg_v[pl.ds(2 * _L, _L)] = jnp.full((_L,), _S + 1, jnp.int32)
        c_lo.wait()

        def scan_cond(c):
            i, found = c
            return (i < _H // _L) & (found < _ON - 1)

        def scan_body(c):
            i, found = c
            v = row_v[pl.ds(i * _L, _L)]
            m = v == _DELIM
            pc = plsc.all_reduce_population_count(m)[0]

            @pl.when(pc != 0)
            def _():
                s = plsc.cumsum(jnp.where(m, 1, 0))
                rank = found + s
                wm = m & (rank <= _ON - 1)
                plsc.store_scatter(beg_v, [jnp.minimum(rank, _ON)],
                                   i * _L + lane + 1, mask=wm)

            return i + 1, found + pc

        st = lax.while_loop(scan_cond, scan_body, (jnp.int32(0), jnp.int32(0)))
        c_hi.wait()

        def scan_cond2(c):
            i, found = c
            return (i < _S // _L) & (found < _ON - 1)

        lax.while_loop(scan_cond2, scan_body, st)

        kbase = half * (_ON // 2)

        def chunk_body(kk, doc):
            k = kbase + kk
            ksplat = jnp.zeros((_L,), jnp.int32) + k
            off = plsc.load_gather(beg_v, [ksplat])
            sz = plsc.load_gather(beg_v, [ksplat + 1]) - off
            ok = sz != 1

            def tok_body(q, ln):
                j = lane + q * _L
                idx = jnp.minimum(off + j, _S)
                g = plsc.load_gather(row_v, [idx])
                val = jnp.where((j < sz) & ok, g, _PAD)
                out_v[kk, pl.ds(q * _L, _L)] = val
                return ln + plsc.all_reduce_population_count(val != 0)

            ln = lax.fori_loop(0, _OL // _L, tok_body,
                               jnp.zeros((_L,), jnp.int32))

            def msk_body(q, _):
                j = lane + q * _L
                msk_v[kk, pl.ds(q * _L, _L)] = jnp.where(
                    j < ln, jnp.float32(1.0), jnp.float32(0.0))
                return 0

            lax.fori_loop(0, _OL // _L, msk_body, 0)
            return doc + jnp.where(ln != 0, 1, 0)

        doc = lax.fori_loop(0, _ON // 2, chunk_body,
                            jnp.zeros((_L,), jnp.int32))
        c1 = pltpu.async_copy(out_v, otp_hbm.at[row, pl.ds(kbase, _ON // 2)],
                              sem_out)
        c2 = pltpu.async_copy(msk_v, mask_hbm.at[row, pl.ds(kbase, _ON // 2)],
                              sem_msk)
        beg_v[pl.ds(0, _L)] = doc
        pltpu.sync_copy(beg_v.at[pl.ds(0, 8)], docs_sh.at[pl.ds(sid * 8, 8)])
        c1.wait()
        c2.wait()

    plsc.subcore_barrier()

    @pl.when(sid == 0)
    def _():
        pltpu.sync_copy(docs_sh, tmp_v)
        idx = lax.broadcasted_iota(jnp.int32, (_L,), 0) * 16
        cnt = (plsc.load_gather(tmp_v, [idx])
               + plsc.load_gather(tmp_v, [idx + 8]))
        tmp_v[pl.ds(0, _L)] = cnt
        pltpu.sync_copy(tmp_v.at[pl.ds(0, 8)], lend_hbm.at[pl.ds(cid * 8, 8)])


@jax.jit
def kernel(x):
    mesh = plsc.VectorSubcoreMesh(core_axis_name="c", subcore_axis_name="s")
    otp, lend, mask = pl.kernel(
        _split_body,
        out_type=[
            jax.ShapeDtypeStruct((_B, _ON, _OL), jnp.int32),
            jax.ShapeDtypeStruct((_B,), jnp.int32),
            jax.ShapeDtypeStruct((_B, _ON, _OL), jnp.float32),
        ],
        mesh=mesh,
        compiler_params=pltpu.CompilerParams(
            needs_layout_passes=False, use_tc_tiling_on_sc=True),
        scratch_types=[
            pltpu.VMEM((_ROW_LEN,), jnp.int32),
            pltpu.VMEM((3 * _L,), jnp.int32),
            pltpu.VMEM((_ON // 2, _OL), jnp.int32),
            pltpu.VMEM((_ON // 2, _OL), jnp.float32),
            pltpu.VMEM_SHARED((128,), jnp.int32),
            pltpu.VMEM((128,), jnp.int32),
            pltpu.SemaphoreType.DMA,
            pltpu.SemaphoreType.DMA,
        ],
    )(x)
    return otp, lend, mask

# --- scband reference (transcript-rebuilt; emitter-appended) ---
"""Pipeline reference for scband-split-layer-62603443306880 (READ-ONLY COPY).

The authoritative reference and input builder live on the scoring server;
editing this copy changes nothing except your own understanding.
"""

import jax, jax.numpy as jnp
import numpy as np

OUT_NUM = 32
OUT_LEN = 64
DELIM = 1
PAD = 0
BATCH = 16
SEQ = 2048


def setup_inputs(seed: int = 0) -> dict:
    key = jax.random.key(seed)
    x = jax.random.randint(key, (BATCH, SEQ), 0, 50, dtype=jnp.int32)
    return {"x": x}


def _split_row(nopad):
    # nopad: int32[L]. Faithful static-shape reimplementation of single_article_split
    L = nopad.shape[0]
    rpad = jnp.concatenate([nopad, jnp.full((1,), DELIM, dtype=nopad.dtype)])  # [L+1]
    bool_mask = jnp.concatenate([
        jnp.ones((1,), dtype=bool),
        nopad == DELIM,
        jnp.ones((1,), dtype=bool),
    ])  # [L+2]
    # begin indices of sentence boundaries in padded coordinates; pad with L+1
    begin = jnp.nonzero(bool_mask, size=L + 2, fill_value=L + 1)[0]
    sizes = (begin[1:] - begin[:-1]).astype(jnp.int32)  # [L+1]; trailing fills give size 0
    ful_len = jnp.asarray(L + 1, dtype=jnp.int32)
    sizes_head = sizes[: OUT_NUM - 1]
    cur_len = jnp.sum(sizes_head)
    tail = (ful_len - cur_len)[None]
    sizes_final = jnp.concatenate([sizes_head, tail])  # [OUT_NUM], sums to L+1
    offsets = jnp.concatenate([
        jnp.zeros((1,), jnp.int32),
        jnp.cumsum(sizes_final)[:-1].astype(jnp.int32),
    ])

    def make_chunk(off, sz):
        # tf.split chunk of rpad starting at off with length sz, then:
        #  - if chunk length == 1 -> fill with pad_word
        #  - truncate to OUT_LEN (cut_head=False), pad with pad_word
        j = jnp.arange(OUT_LEN, dtype=jnp.int32)
        pos = jnp.clip(off + j, 0, L)
        valid = (j < sz) & (sz != 1)
        return jnp.where(valid, rpad[pos], jnp.asarray(PAD, dtype=jnp.int32))

    return jax.vmap(make_chunk)(offsets, sizes_final)  # [OUT_NUM, OUT_LEN]


def _forward(x):
    otp = jax.vmap(_split_row)(x)  # int32[B, OUT_NUM, OUT_LEN]
    len_sent = jnp.count_nonzero(otp, axis=2)  # [B, OUT_NUM]
    len_doc = jnp.count_nonzero(len_sent, axis=1)  # [B]
    j = jnp.arange(OUT_LEN)
    mask = (j[None, None, :] < len_sent[:, :, None]).astype(jnp.float32)  # sequence_mask
    return otp, len_doc, mask


def reference(x):
    return _forward(x)

if __name__ == "__main__":
    import jax
    _d = setup_inputs()
    print(jax.jit(kernel)(*tuple(_d.values())))

</pallas_src>

<mosaic_0001>
#map = affine_map<(d0, d1) -> (0, 0)>
#map1 = affine_map<(d0, d1) -> (0, 0, 0)>
#map2 = affine_map<(d0, d1) -> (0)>
module attributes {stable_mosaic.version = 14 : i64} {
  func.func @_split_body(%arg0: i32, %arg1: i32, %arg2: memref<16x2048xi32, #tpu.memory_space<hbm>>, %arg3: memref<16x32x64xi32, #tpu.memory_space<hbm>>, %arg4: memref<16xi32, #tpu.memory_space<hbm>>, %arg5: memref<16x32x64xf32, #tpu.memory_space<hbm>>, %arg6: memref<2064xi32, #tpu.memory_space<vmem>>, %arg7: memref<48xi32, #tpu.memory_space<vmem>>, %arg8: memref<16x64xi32, #tpu.memory_space<vmem>>, %arg9: memref<16x64xf32, #tpu.memory_space<vmem>>, %arg10: memref<128xi32, #tpu.memory_space<vmem_shared>>, %arg11: memref<128xi32, #tpu.memory_space<vmem>>, %arg12: memref<!tpu.dma_semaphore, #tpu.memory_space<semaphore_mem>>, %arg13: memref<!tpu.dma_semaphore, #tpu.memory_space<semaphore_mem>>) attributes {dimension_semantics = [#tpu.dimension_semantics<core_parallel>, #tpu.dimension_semantics<subcore_parallel>], iteration_bounds = array<i64: 2, 16>, scalar_prefetch = 0 : i64, scratch_operands = 8 : i64, tpu.core_type = #tpu.core_type<sc_vector_subcore>, window_params = [{transform_indices = #map}, {transform_indices = #map1}, {transform_indices = #map2}, {transform_indices = #map1}]} {
    %mul3A = arith.constant 8 : i32
    %mul3A_0 = arith.muli %arg0, %mul3A : i32
    %jit3A = arith.constant 2 : i32
    %div3A = arith.divsi %arg1, %jit3A : i32
    %sign3A = arith.constant 0 : i32
    %sign3A_1 = arith.cmpi sgt, %arg1, %sign3A : i32
    %sign3A_2 = arith.extui %sign3A_1 : i1 to i32
    %sign3A_3 = arith.constant 0 : i32
    %sign3A_4 = arith.cmpi slt, %arg1, %sign3A_3 : i32
    %sign3A_5 = arith.extui %sign3A_4 : i1 to i32
    %sign3A_6 = arith.subi %sign3A_2, %sign3A_5 : i32
    %sign3A_7 = arith.constant 0 : i32
    %sign3A_8 = arith.cmpi sgt, %jit3A, %sign3A_7 : i32
    %sign3A_9 = arith.extui %sign3A_8 : i1 to i32
    %sign3A_10 = arith.constant 0 : i32
    %sign3A_11 = arith.cmpi slt, %jit3A, %sign3A_10 : i32
    %sign3A_12 = arith.extui %sign3A_11 : i1 to i32
    %sign3A_13 = arith.subi %sign3A_9, %sign3A_12 : i32
    %ne3A = arith.cmpi ne, %sign3A_6, %sign3A_13 : i32
    %rem3A = arith.remsi %arg1, %jit3A : i32
    %ne3A_14 = arith.constant 0 : i32
    %ne3A_15 = arith.cmpi ne, %rem3A, %ne3A_14 : i32
    %and3A = arith.andi %ne3A, %ne3A_15 : i1
    %sub3A = arith.constant 1 : i32
    %sub3A_16 = arith.subi %div3A, %sub3A : i32
    %select_n3A = arith.select %and3A, %sub3A_16, %div3A : i32
    %add3A = arith.addi %mul3A_0, %select_n3A : i32
    %jit3A_17 = arith.constant 2 : i32
    %eq3A = arith.constant 0 : i32
    %eq3A_18 = arith.cmpi eq, %jit3A_17, %eq3A : i32
    %jit3A_19 = arith.constant 1 : i32
    %select_n3A_20 = arith.select %eq3A_18, %jit3A_19, %jit3A_17 : i32
    %rem3A_21 = arith.remsi %arg1, %select_n3A_20 : i32
    %ne3A_22 = arith.constant 0 : i32
    %ne3A_23 = arith.cmpi ne, %rem3A_21, %ne3A_22 : i32
    %lt3A = arith.constant 0 : i32
    %lt3A_24 = arith.cmpi slt, %rem3A_21, %lt3A : i32
    %lt3A_25 = arith.constant 0 : i32
    %lt3A_26 = arith.cmpi slt, %select_n3A_20, %lt3A_25 : i32
    %ne3A_27 = arith.xori %lt3A_24, %lt3A_26 : i1
    %and3A_28 = arith.andi %ne3A_27, %ne3A_23 : i1
    %add3A_29 = arith.addi %rem3A_21, %select_n3A_20 : i32
    %select_n3A_30 = arith.select %and3A_28, %add3A_29, %rem3A_21 : i32
    %iota3A = tpu.iota {dimensions = array<i32: 0>} : vector<16xi32>
    %dma_start3A = arith.constant 0 : i32
    %dma_start3A_31 = tpu.memref_slice %arg6[%dma_start3A] : memref<2064xi32, #tpu.memory_space<vmem>> -> memref<1024xi32, #tpu.memory_space<vmem>>
    %dma_start3A_32 = arith.constant 0 : i32
    %dma_start3A_33 = tpu.memref_slice %arg2[%add3A, %dma_start3A_32] : memref<16x2048xi32, #tpu.memory_space<hbm>> -> memref<1x1024xi32, #tpu.memory_space<hbm>>
    %dma_start3A_34 = tpu.memref_squeeze %dma_start3A_33 : memref<1x1024xi32, #tpu.memory_space<hbm>> -> memref<1024xi32, #tpu.memory_space<hbm>>
    %dma_start3A_35 = arith.constant 0 : i32
    %dma_start3A_36 = tpu.memref_slice %arg6[%dma_start3A_35] : memref<2064xi32, #tpu.memory_space<vmem>> -> memref<1024xi32, #tpu.memory_space<vmem>>
    %dma_start3A_37 = arith.constant 0 : i32
    %dma_start3A_38 = tpu.memref_slice %arg2[%add3A, %dma_start3A_37] : memref<16x2048xi32, #tpu.memory_space<hbm>> -> memref<1x1024xi32, #tpu.memory_space<hbm>>
    %dma_start3A_39 = tpu.memref_squeeze %dma_start3A_38 : memref<1x1024xi32, #tpu.memory_space<hbm>> -> memref<1024xi32, #tpu.memory_space<hbm>>
    tpu.enqueue_dma source(%dma_start3A_39 : memref<1024xi32, #tpu.memory_space<hbm>>) target(%dma_start3A_36 : memref<1024xi32, #tpu.memory_space<vmem>>) target_semaphore(%arg12 : memref<!tpu.dma_semaphore, #tpu.memory_space<semaphore_mem>>)
    %dma_start3A_40 = arith.constant 1024 : i32
    %dma_start3A_41 = tpu.memref_slice %arg6[%dma_start3A_40] : memref<2064xi32, #tpu.memory_space<vmem>> -> memref<1024xi32, #tpu.memory_space<vmem>>
    %dma_start3A_42 = arith.constant 1024 : i32
    %dma_start3A_43 = tpu.memref_slice %arg2[%add3A, %dma_start3A_42] : memref<16x2048xi32, #tpu.memory_space<hbm>> -> memref<1x1024xi32, #tpu.memory_space<hbm>>
    %dma_start3A_44 = tpu.memref_squeeze %dma_start3A_43 : memref<1x1024xi32, #tpu.memory_space<hbm>> -> memref<1024xi32, #tpu.memory_space<hbm>>
    %dma_start3A_45 = arith.constant 1024 : i32
    %dma_start3A_46 = tpu.memref_slice %arg6[%dma_start3A_45] : memref<2064xi32, #tpu.memory_space<vmem>> -> memref<1024xi32, #tpu.memory_space<vmem>>
    %dma_start3A_47 = arith.constant 1024 : i32
    %dma_start3A_48 = tpu.memref_slice %arg2[%add3A, %dma_start3A_47] : memref<16x2048xi32, #tpu.memory_space<hbm>> -> memref<1x1024xi32, #tpu.memory_space<hbm>>
    %dma_start3A_49 = tpu.memref_squeeze %dma_start3A_48 : memref<1x1024xi32, #tpu.memory_space<hbm>> -> memref<1024xi32, #tpu.memory_space<hbm>>
    tpu.enqueue_dma source(%dma_start3A_49 : memref<1024xi32, #tpu.memory_space<hbm>>) target(%dma_start3A_46 : memref<1024xi32, #tpu.memory_space<vmem>>) target_semaphore(%arg13 : memref<!tpu.dma_semaphore, #tpu.memory_space<semaphore_mem>>)
    %eq3A_50 = arith.constant 0 : i32
    %eq3A_51 = vector.broadcast %eq3A_50 : i32 to vector<16xi32>
    %eq3A_52 = arith.cmpi eq, %iota3A, %eq3A_51 : vector<16xi32>
    %jit3A_53 = arith.constant 1 : i32
    %jit3A_54 = arith.constant 0 : i32
    %broadcast_in_dim3A = vector.broadcast %jit3A_53 : i32 to vector<16xi32>
    %broadcast_in_dim3A_55 = vector.broadcast %jit3A_54 : i32 to vector<16xi32>
    %select_n3A_56 = arith.select %eq3A_52, %broadcast_in_dim3A, %broadcast_in_dim3A_55 : vector<16xi1>, vector<16xi32>
    %swap3A = arith.constant 2048 : index
    %swap3A_57 = tpu.vector_load %arg6[%swap3A] {strides = array<i32>} : memref<2064xi32, #tpu.memory_space<vmem>>, vector<16xi32>,
    tpu.vector_store %arg6[%swap3A], %select_n3A_56 {strides = array<i32>} : memref<2064xi32, #tpu.memory_space<vmem>>, vector<16xi32>,
    %eq3A_58 = arith.constant 0 : i32
    %eq3A_59 = vector.broadcast %eq3A_58 : i32 to vector<16xi32>
    %eq3A_60 = arith.cmpi eq, %iota3A, %eq3A_59 : vector<16xi32>
    %jit3A_61 = arith.constant 0 : i32
    %jit3A_62 = arith.constant 2049 : i32
    %broadcast_in_dim3A_63 = vector.broadcast %jit3A_61 : i32 to vector<16xi32>
    %broadcast_in_dim3A_64 = vector.broadcast %jit3A_62 : i32 to vector<16xi32>
    %select_n3A_65 = arith.select %eq3A_60, %broadcast_in_dim3A_63, %broadcast_in_dim3A_64 : vector<16xi1>, vector<16xi32>
    %swap3A_66 = arith.constant 0 : index
    %swap3A_67 = tpu.vector_load %arg7[%swap3A_66] {strides = array<i32>} : memref<48xi32, #tpu.memory_space<vmem>>, vector<16xi32>,
    tpu.vector_store %arg7[%swap3A_66], %select_n3A_65 {strides = array<i32>} : memref<48xi32, #tpu.memory_space<vmem>>, vector<16xi32>,
    %broadcast_in_dim3A_68 = arith.constant 2049 : i32
    %broadcast_in_dim3A_69 = vector.broadcast %broadcast_in_dim3A_68 : i32 to vector<16xi32>
    %swap3A_70 = arith.constant 16 : index
    %swap3A_71 = tpu.vector_load %arg7[%swap3A_70] {strides = array<i32>} : memref<48xi32, #tpu.memory_space<vmem>>, vector<16xi32>,
    tpu.vector_store %arg7[%swap3A_70], %broadcast_in_dim3A_69 {strides = array<i32>} : memref<48xi32, #tpu.memory_space<vmem>>, vector<16xi32>,
    %broadcast_in_dim3A_72 = arith.constant 2049 : i32
    %broadcast_in_dim3A_73 = vector.broadcast %broadcast_in_dim3A_72 : i32 to vector<16xi32>
    %swap3A_74 = arith.constant 32 : index
    %swap3A_75 = tpu.vector_load %arg7[%swap3A_74] {strides = array<i32>} : memref<48xi32, #tpu.memory_space<vmem>>, vector<16xi32>,
    tpu.vector_store %arg7[%swap3A_74], %broadcast_in_dim3A_73 {strides = array<i32>} : memref<48xi32, #tpu.memory_space<vmem>>, vector<16xi32>,
    %dma_wait3A = arith.constant 0 : i32
    %dma_wait3A_76 = tpu.memref_slice %arg6[%dma_wait3A] : memref<2064xi32, #tpu.memory_space<vmem>> -> memref<1024xi32, #tpu.memory_space<vmem>>
    %dma_wait3A_77 = arith.constant 0 : i32
    %dma_wait3A_78 = tpu.memref_slice %arg2[%add3A, %dma_wait3A_77] : memref<16x2048xi32, #tpu.memory_space<hbm>> -> memref<1x1024xi32, #tpu.memory_space<hbm>>
    %dma_wait3A_79 = tpu.memref_squeeze %dma_wait3A_78 : memref<1x1024xi32, #tpu.memory_space<hbm>> -> memref<1024xi32, #tpu.memory_space<hbm>>
    %dma_wait3A_80 = arith.constant 0 : i32
    %dma_wait3A_81 = tpu.memref_slice %arg6[%dma_wait3A_80] : memref<2064xi32, #tpu.memory_space<vmem>> -> memref<1024xi32, #tpu.memory_space<vmem>>
    %dma_wait3A_82 = arith.constant 0 : i32
    %dma_wait3A_83 = tpu.memref_slice %arg2[%add3A, %dma_wait3A_82] : memref<16x2048xi32, #tpu.memory_space<hbm>> -> memref<1x1024xi32, #tpu.memory_space<hbm>>
    %dma_wait3A_84 = tpu.memref_squeeze %dma_wait3A_83 : memref<1x1024xi32, #tpu.memory_space<hbm>> -> memref<1024xi32, #tpu.memory_space<hbm>>
    tpu.wait_dma2 semaphore(%arg12 : memref<!tpu.dma_semaphore, #tpu.memory_space<semaphore_mem>>) src(%dma_wait3A_84 : memref<1024xi32, #tpu.memory_space<hbm>>) dst(%dma_wait3A_81 : memref<1024xi32, #tpu.memory_space<vmem>>)
    %while3A = arith.constant 0 : i32
    %while3A_85 = arith.constant 0 : i32
    %while3A_86:2 = scf.while (%while3A_138 = %while3A, %while3A_139 = %while3A_85) : (i32, i32) -> (i32, i32) {
      %lt3A_140 = arith.constant 64 : i32
      %lt3A_141 = arith.cmpi slt, %while3A_138, %lt3A_140 : i32
      %lt3A_142 = arith.constant 31 : i32
      %lt3A_143 = arith.cmpi slt, %while3A_139, %lt3A_142 : i32
      %and3A_144 = arith.andi %lt3A_141, %lt3A_143 : i1
      scf.condition(%and3A_144) %while3A_138, %while3A_139 : i32, i32
    } do {
    ^bb0(%while3A_138: i32, %while3A_139: i32):
      %mul3A_140 = arith.constant 16 : i32
      %mul3A_141 = arith.muli %while3A_138, %mul3A_140 : i32
      %get3A = arith.index_cast %mul3A_141 : i32 to index
      %get3A_142 = tpu.vector_load %arg6[%get3A] {strides = array<i32>} : memref<2064xi32, #tpu.memory_space<vmem>>, vector<16xi32>,
      %eq3A_143 = arith.constant 1 : i32
      %eq3A_144 = vector.broadcast %eq3A_143 : i32 to vector<16xi32>
      %eq3A_145 = arith.cmpi eq, %get3A_142, %eq3A_144 : vector<16xi32>
      %all_reduce_population_count3A = tpu.all_reduce %eq3A_145 {dim = 0 : i64, kind = #tpu.reduction_kind<sum>} : vector<16xi1> -> vector<16xi32>
      %slice3A = vector.extract_strided_slice %all_reduce_population_count3A {offsets = [0], sizes = [1], strides = [1]} : vector<16xi32> to vector<1xi32>
      %squeeze3A = vector.extract %slice3A[0] : i32 from vector<1xi32>
      %ne3A_146 = arith.constant 0 : i32
      %ne3A_147 = arith.cmpi ne, %squeeze3A, %ne3A_146 : i32
      %convert_element_type3A_148 = arith.extui %ne3A_147 : i1 to i32
      %cond3A_149 = arith.constant 0 : i32
      %cond3A_150 = arith.cmpi ne, %convert_element_type3A_148, %cond3A_149 : i32
      scf.if %cond3A_150 {
        %jit3A_154 = arith.constant 1 : i32
        %jit3A_155 = arith.constant 0 : i32
        %broadcast_in_dim3A_156 = vector.broadcast %jit3A_154 : i32 to vector<16xi32>
        %broadcast_in_dim3A_157 = vector.broadcast %jit3A_155 : i32 to vector<16xi32>
        %select_n3A_158 = arith.select %eq3A_145, %broadcast_in_dim3A_156, %broadcast_in_dim3A_157 : vector<16xi1>, vector<16xi32>
        %broadcast_in_dim3A_159 = arith.constant true
        %broadcast_in_dim3A_160 = vector.broadcast %broadcast_in_dim3A_159 : i1 to vector<16xi1>
        %masked_cumsum3A = tpu.scan <sum>, %select_n3A_158 masked %broadcast_in_dim3A_160 : vector<16xi32>, vector<16xi1> -> vector<16xi32>
        %add3A_161 = vector.broadcast %while3A_139 : i32 to vector<16xi32>
        %add3A_162 = arith.addi %add3A_161, %masked_cumsum3A : vector<16xi32>
        %le3A = arith.constant 31 : i32
        %le3A_163 = vector.broadcast %le3A : i32 to vector<16xi32>
        %le3A_164 = arith.cmpi sle, %add3A_162, %le3A_163 : vector<16xi32>
        %and3A_165 = arith.andi %eq3A_145, %le3A_164 : vector<16xi1>
        %min3A = arith.constant 32 : i32
        %min3A_166 = vector.broadcast %min3A : i32 to vector<16xi32>
        %min3A_167 = arith.minsi %add3A_162, %min3A_166 : vector<16xi32>
        %mul3A_168 = arith.constant 16 : i32
        %mul3A_169 = arith.muli %while3A_138, %mul3A_168 : i32
        %add3A_170 = vector.broadcast %mul3A_169 : i32 to vector<16xi32>
        %add3A_171 = arith.addi %add3A_170, %iota3A : vector<16xi32>
        %add3A_172 = arith.constant 1 : i32
        %add3A_173 = vector.broadcast %add3A_172 : i32 to vector<16xi32>
        %add3A_174 = arith.addi %add3A_171, %add3A_173 : vector<16xi32>
        tpu.vector_store_idx %arg7[%min3A_167], %add3A_174 masked %and3A_165 : memref<48xi32, #tpu.memory_space<vmem>>[vector<16xi32>], vector<16xi32>, vector<16xi1>
      } else {
      }
      %add3A_151 = arith.constant 1 : i32
      %add3A_152 = arith.addi %while3A_138, %add3A_151 : i32
      %add3A_153 = arith.addi %while3A_139, %squeeze3A : i32
      scf.yield %add3A_152, %add3A_153 : i32, i32
    }
    %dma_wait3A_87 = arith.constant 1024 : i32
    %dma_wait3A_88 = tpu.memref_slice %arg6[%dma_wait3A_87] : memref<2064xi32, #tpu.memory_space<vmem>> -> memref<1024xi32, #tpu.memory_space<vmem>>
    %dma_wait3A_89 = arith.constant 1024 : i32
    %dma_wait3A_90 = tpu.memref_slice %arg2[%add3A, %dma_wait3A_89] : memref<16x2048xi32, #tpu.memory_space<hbm>> -> memref<1x1024xi32, #tpu.memory_space<hbm>>
    %dma_wait3A_91 = tpu.memref_squeeze %dma_wait3A_90 : memref<1x1024xi32, #tpu.memory_space<hbm>> -> memref<1024xi32, #tpu.memory_space<hbm>>
    %dma_wait3A_92 = arith.constant 1024 : i32
    %dma_wait3A_93 = tpu.memref_slice %arg6[%dma_wait3A_92] : memref<2064xi32, #tpu.memory_space<vmem>> -> memref<1024xi32, #tpu.memory_space<vmem>>
    %dma_wait3A_94 = arith.constant 1024 : i32
    %dma_wait3A_95 = tpu.memref_slice %arg2[%add3A, %dma_wait3A_94] : memref<16x2048xi32, #tpu.memory_space<hbm>> -> memref<1x1024xi32, #tpu.memory_space<hbm>>
    %dma_wait3A_96 = tpu.memref_squeeze %dma_wait3A_95 : memref<1x1024xi32, #tpu.memory_space<hbm>> -> memref<1024xi32, #tpu.memory_space<hbm>>
    tpu.wait_dma2 semaphore(%arg13 : memref<!tpu.dma_semaphore, #tpu.memory_space<semaphore_mem>>) src(%dma_wait3A_96 : memref<1024xi32, #tpu.memory_space<hbm>>) dst(%dma_wait3A_93 : memref<1024xi32, #tpu.memory_space<vmem>>)
    %while3A_97:2 = scf.while (%while3A_138 = %while3A_86#0, %while3A_139 = %while3A_86#1) : (i32, i32) -> (i32, i32) {
      %lt3A_140 = arith.constant 128 : i32
      %lt3A_141 = arith.cmpi slt, %while3A_138, %lt3A_140 : i32
      %lt3A_142 = arith.constant 31 : i32
      %lt3A_143 = arith.cmpi slt, %while3A_139, %lt3A_142 : i32
      %and3A_144 = arith.andi %lt3A_141, %lt3A_143 : i1
      scf.condition(%and3A_144) %while3A_138, %while3A_139 : i32, i32
    } do {
    ^bb0(%while3A_138: i32, %while3A_139: i32):
      %mul3A_140 = arith.constant 16 : i32
      %mul3A_141 = arith.muli %while3A_138, %mul3A_140 : i32
      %get3A = arith.index_cast %mul3A_141 : i32 to index
      %get3A_142 = tpu.vector_load %arg6[%get3A] {strides = array<i32>} : memref<2064xi32, #tpu.memory_space<vmem>>, vector<16xi32>,
      %eq3A_143 = arith.constant 1 : i32
      %eq3A_144 = vector.broadcast %eq3A_143 : i32 to vector<16xi32>
      %eq3A_145 = arith.cmpi eq, %get3A_142, %eq3A_144 : vector<16xi32>
      %all_reduce_population_count3A = tpu.all_reduce %eq3A_145 {dim = 0 : i64, kind = #tpu.reduction_kind<sum>} : vector<16xi1> -> vector<16xi32>
      %slice3A = vector.extract_strided_slice %all_reduce_population_count3A {offsets = [0], sizes = [1], strides = [1]} : vector<16xi32> to vector<1xi32>
      %squeeze3A = vector.extract %slice3A[0] : i32 from vector<1xi32>
      %ne3A_146 = arith.constant 0 : i32
      %ne3A_147 = arith.cmpi ne, %squeeze3A, %ne3A_146 : i32
      %convert_element_type3A_148 = arith.extui %ne3A_147 : i1 to i32
      %cond3A_149 = arith.constant 0 : i32
      %cond3A_150 = arith.cmpi ne, %convert_element_type3A_148, %cond3A_149 : i32
      scf.if %cond3A_150 {
        %jit3A_154 = arith.constant 1 : i32
        %jit3A_155 = arith.constant 0 : i32
        %broadcast_in_dim3A_156 = vector.broadcast %jit3A_154 : i32 to vector<16xi32>
        %broadcast_in_dim3A_157 = vector.broadcast %jit3A_155 : i32 to vector<16xi32>
        %select_n3A_158 = arith.select %eq3A_145, %broadcast_in_dim3A_156, %broadcast_in_dim3A_157 : vector<16xi1>, vector<16xi32>
        %broadcast_in_dim3A_159 = arith.constant true
        %broadcast_in_dim3A_160 = vector.broadcast %broadcast_in_dim3A_159 : i1 to vector<16xi1>
        %masked_cumsum3A = tpu.scan <sum>, %select_n3A_158 masked %broadcast_in_dim3A_160 : vector<16xi32>, vector<16xi1> -> vector<16xi32>
        %add3A_161 = vector.broadcast %while3A_139 : i32 to vector<16xi32>
        %add3A_162 = arith.addi %add3A_161, %masked_cumsum3A : vector<16xi32>
        %le3A = arith.constant 31 : i32
        %le3A_163 = vector.broadcast %le3A : i32 to vector<16xi32>
        %le3A_164 = arith.cmpi sle, %add3A_162, %le3A_163 : vector<16xi32>
        %and3A_165 = arith.andi %eq3A_145, %le3A_164 : vector<16xi1>
        %min3A = arith.constant 32 : i32
        %min3A_166 = vector.broadcast %min3A : i32 to vector<16xi32>
        %min3A_167 = arith.minsi %add3A_162, %min3A_166 : vector<16xi32>
        %mul3A_168 = arith.constant 16 : i32
        %mul3A_169 = arith.muli %while3A_138, %mul3A_168 : i32
        %add3A_170 = vector.broadcast %mul3A_169 : i32 to vector<16xi32>
        %add3A_171 = arith.addi %add3A_170, %iota3A : vector<16xi32>
        %add3A_172 = arith.constant 1 : i32
        %add3A_173 = vector.broadcast %add3A_172 : i32 to vector<16xi32>
        %add3A_174 = arith.addi %add3A_171, %add3A_173 : vector<16xi32>
        tpu.vector_store_idx %arg7[%min3A_167], %add3A_174 masked %and3A_165 : memref<48xi32, #tpu.memory_space<vmem>>[vector<16xi32>], vector<16xi32>, vector<16xi1>
      } else {
      }
      %add3A_151 = arith.constant 1 : i32
      %add3A_152 = arith.addi %while3A_138, %add3A_151 : i32
      %add3A_153 = arith.addi %while3A_139, %squeeze3A : i32
      scf.yield %add3A_152, %add3A_153 : i32, i32
    }
    %mul3A_98 = arith.constant 16 : i32
    %mul3A_99 = arith.muli %select_n3A_30, %mul3A_98 : i32
    %broadcast_in_dim3A_100 = arith.constant 0 : i32
    %broadcast_in_dim3A_101 = vector.broadcast %broadcast_in_dim3A_100 : i32 to vector<16xi32>
    %scan3A = arith.constant 0 : i32
    %scan3A_102 = arith.constant 16 : i32
    %scan3A_103 = arith.addi %scan3A, %scan3A_102 : i32
    %scan3A_104 = arith.constant 1 : i32
    %scan3A_105 = scf.for %scan3A_138 = %scan3A to %scan3A_103 step %scan3A_104 iter_args(%scan3A_139 = %broadcast_in_dim3A_101) -> (vector<16xi32>)  : i32 {
      %add3A_140 = arith.addi %mul3A_99, %scan3A_138 : i32
      %broadcast_in_dim3A_141 = arith.constant 0 : i32
      %broadcast_in_dim3A_142 = vector.broadcast %broadcast_in_dim3A_141 : i32 to vector<16xi32>
      %add3A_143 = vector.broadcast %add3A_140 : i32 to vector<16xi32>
      %add3A_144 = arith.addi %broadcast_in_dim3A_142, %add3A_143 : vector<16xi32>
      %gather3A = tpu.vector_load_idx %arg7[%add3A_144] : memref<48xi32, #tpu.memory_space<vmem>>[vector<16xi32>], vector<16xi32>,
      %add3A_145 = arith.constant 1 : i32
      %add3A_146 = vector.broadcast %add3A_145 : i32 to vector<16xi32>
      %add3A_147 = arith.addi %add3A_144, %add3A_146 : vector<16xi32>
      %gather3A_148 = tpu.vector_load_idx %arg7[%add3A_147] : memref<48xi32, #tpu.memory_space<vmem>>[vector<16xi32>], vector<16xi32>,
      %sub3A_149 = arith.subi %gather3A_148, %gather3A : vector<16xi32>
      %ne3A_150 = arith.constant 1 : i32
      %ne3A_151 = vector.broadcast %ne3A_150 : i32 to vector<16xi32>
      %ne3A_152 = arith.cmpi ne, %sub3A_149, %ne3A_151 : vector<16xi32>
      %broadcast_in_dim3A_153 = arith.constant 0 : i32
      %broadcast_in_dim3A_154 = vector.broadcast %broadcast_in_dim3A_153 : i32 to vector<16xi32>
      %scan3A_155 = arith.constant 0 : i32
      %scan3A_156 = arith.constant 4 : i32
      %scan3A_157 = arith.addi %scan3A_155, %scan3A_156 : i32
      %scan3A_158 = arith.constant 1 : i32
      %scan3A_159 = scf.for %scan3A_177 = %scan3A_155 to %scan3A_157 step %scan3A_158 iter_args(%scan3A_178 = %broadcast_in_dim3A_154) -> (vector<16xi32>)  : i32 {
        %mul3A_179 = arith.constant 16 : i32
        %mul3A_180 = arith.muli %scan3A_177, %mul3A_179 : i32
        %add3A_181 = vector.broadcast %mul3A_180 : i32 to vector<16xi32>
        %add3A_182 = arith.addi %iota3A, %add3A_181 : vector<16xi32>
        %add3A_183 = arith.addi %gather3A, %add3A_182 : vector<16xi32>
        %min3A = arith.constant 2048 : i32
        %min3A_184 = vector.broadcast %min3A : i32 to vector<16xi32>
        %min3A_185 = arith.minsi %add3A_183, %min3A_184 : vector<16xi32>
        %gather3A_186 = tpu.vector_load_idx %arg6[%min3A_185] : memref<2064xi32, #tpu.memory_space<vmem>>[vector<16xi32>], vector<16xi32>,
        %lt3A_187 = arith.cmpi slt, %add3A_182, %sub3A_149 : vector<16xi32>
        %and3A_188 = arith.andi %lt3A_187, %ne3A_152 : vector<16xi1>
        %jit3A_189 = arith.constant 0 : i32
        %broadcast_in_dim3A_190 = vector.broadcast %jit3A_189 : i32 to vector<16xi32>
        %select_n3A_191 = arith.select %and3A_188, %gather3A_186, %broadcast_in_dim3A_190 : vector<16xi1>, vector<16xi32>
        %mul3A_192 = arith.constant 16 : i32
        %mul3A_193 = arith.muli %scan3A_177, %mul3A_192 : i32
        %swap3A_194 = arith.index_cast %scan3A_138 : i32 to index
        %swap3A_195 = arith.index_cast %mul3A_193 : i32 to index
        %swap3A_196 = tpu.vector_load %arg8[%swap3A_194, %swap3A_195] {strides = array<i32>} : memref<16x64xi32, #tpu.memory_space<vmem>>, vector<16xi32>,
        tpu.vector_store %arg8[%swap3A_194, %swap3A_195], %select_n3A_191 {strides = array<i32>} : memref<16x64xi32, #tpu.memory_space<vmem>>, vector<16xi32>,
        %ne3A_197 = arith.constant 0 : i32
        %ne3A_198 = vector.broadcast %ne3A_197 : i32 to vector<16xi32>
        %ne3A_199 = arith.cmpi ne, %select_n3A_191, %ne3A_198 : vector<16xi32>
        %all_reduce_population_count3A = tpu.all_reduce %ne3A_199 {dim = 0 : i64, kind = #tpu.reduction_kind<sum>} : vector<16xi1> -> vector<16xi32>
        %add3A_200 = arith.addi %scan3A_178, %all_reduce_population_count3A : vector<16xi32>
        scf.yield %add3A_200 : vector<16xi32>
      }
      %scan3A_160 = arith.constant 4 : i32
      %scan3A_161 = arith.constant 0 : i32
      %scan3A_162 = arith.constant 0 : i32
      %scan3A_163 = arith.constant 4 : i32
      %scan3A_164 = arith.addi %scan3A_162, %scan3A_163 : i32
      %scan3A_165 = arith.constant 1 : i32
      %scan3A_166 = scf.for %scan3A_177 = %scan3A_162 to %scan3A_164 step %scan3A_165 iter_args(%scan3A_178 = %scan3A_161) -> (i32)  : i32 {
        %mul3A_179 = arith.constant 16 : i32
        %mul3A_180 = arith.muli %scan3A_177, %mul3A_179 : i32
        %add3A_181 = vector.broadcast %mul3A_180 : i32 to vector<16xi32>
        %add3A_182 = arith.addi %iota3A, %add3A_181 : vector<16xi32>
        %lt3A_183 = arith.cmpi slt, %add3A_182, %scan3A_159 : vector<16xi32>
        %jit3A_184 = arith.constant 1.000000e+00 : f32
        %jit3A_185 = arith.constant 0.000000e+00 : f32
        %broadcast_in_dim3A_186 = vector.broadcast %jit3A_184 : f32 to vector<16xf32>
        %broadcast_in_dim3A_187 = vector.broadcast %jit3A_185 : f32 to vector<16xf32>
        %select_n3A_188 = arith.select %lt3A_183, %broadcast_in_dim3A_186, %broadcast_in_dim3A_187 : vector<16xi1>, vector<16xf32>
        %mul3A_189 = arith.constant 16 : i32
        %mul3A_190 = arith.muli %scan3A_177, %mul3A_189 : i32
        %swap3A_191 = arith.index_cast %scan3A_138 : i32 to index
        %swap3A_192 = arith.index_cast %mul3A_190 : i32 to index
        %swap3A_193 = tpu.vector_load %arg9[%swap3A_191, %swap3A_192] {strides = array<i32>} : memref<16x64xf32, #tpu.memory_space<vmem>>, vector<16xf32>,
        tpu.vector_store %arg9[%swap3A_191, %swap3A_192], %select_n3A_188 {strides = array<i32>} : memref<16x64xf32, #tpu.memory_space<vmem>>, vector<16xf32>,
        %scan3A_194 = arith.constant 0 : i32
        scf.yield %scan3A_194 : i32
      }
      %scan3A_167 = arith.constant 4 : i32
      %ne3A_168 = arith.constant 0 : i32
      %ne3A_169 = vector.broadcast %ne3A_168 : i32 to vector<16xi32>
      %ne3A_170 = arith.cmpi ne, %scan3A_159, %ne3A_169 : vector<16xi32>
      %jit3A_171 = arith.constant 1 : i32
      %jit3A_172 = arith.constant 0 : i32
      %broadcast_in_dim3A_173 = vector.broadcast %jit3A_171 : i32 to vector<16xi32>
      %broadcast_in_dim3A_174 = vector.broadcast %jit3A_172 : i32 to vector<16xi32>
      %select_n3A_175 = arith.select %ne3A_170, %broadcast_in_dim3A_173, %broadcast_in_dim3A_174 : vector<16xi1>, vector<16xi32>
      %add3A_176 = arith.addi %scan3A_139, %select_n3A_175 : vector<16xi32>
      scf.yield %add3A_176 : vector<16xi32>
    }
    %scan3A_106 = arith.constant 16 : i32
    %dma_start3A_107 = arith.constant 0 : i32
    %dma_start3A_108 = tpu.memref_slice %arg3[%add3A, %mul3A_99, %dma_start3A_107] : memref<16x32x64xi32, #tpu.memory_space<hbm>> -> memref<1x16x64xi32, #tpu.memory_space<hbm>>
    %dma_start3A_109 = tpu.memref_squeeze %dma_start3A_108 : memref<1x16x64xi32, #tpu.memory_space<hbm>> -> memref<16x64xi32, #tpu.memory_space<hbm>>
    %dma_start3A_110 = arith.constant 0 : i32
    %dma_start3A_111 = tpu.memref_slice %arg3[%add3A, %mul3A_99, %dma_start3A_110] : memref<16x32x64xi32, #tpu.memory_space<hbm>> -> memref<1x16x64xi32, #tpu.memory_space<hbm>>
    %dma_start3A_112 = tpu.memref_squeeze %dma_start3A_111 : memref<1x16x64xi32, #tpu.memory_space<hbm>> -> memref<16x64xi32, #tpu.memory_space<hbm>>
    tpu.enqueue_dma source(%arg8 : memref<16x64xi32, #tpu.memory_space<vmem>>) target(%dma_start3A_112 : memref<16x64xi32, #tpu.memory_space<hbm>>) target_semaphore(%arg12 : memref<!tpu.dma_semaphore, #tpu.memory_space<semaphore_mem>>)
    %dma_start3A_113 = arith.constant 0 : i32
    %dma_start3A_114 = tpu.memref_slice %arg5[%add3A, %mul3A_99, %dma_start3A_113] : memref<16x32x64xf32, #tpu.memory_space<hbm>> -> memref<1x16x64xf32, #tpu.memory_space<hbm>>
    %dma_start3A_115 = tpu.memref_squeeze %dma_start3A_114 : memref<1x16x64xf32, #tpu.memory_space<hbm>> -> memref<16x64xf32, #tpu.memory_space<hbm>>
    %dma_start3A_116 = arith.constant 0 : i32
    %dma_start3A_117 = tpu.memref_slice %arg5[%add3A, %mul3A_99, %dma_start3A_116] : memref<16x32x64xf32, #tpu.memory_space<hbm>> -> memref<1x16x64xf32, #tpu.memory_space<hbm>>
    %dma_start3A_118 = tpu.memref_squeeze %dma_start3A_117 : memref<1x16x64xf32, #tpu.memory_space<hbm>> -> memref<16x64xf32, #tpu.memory_space<hbm>>
    tpu.enqueue_dma source(%arg9 : memref<16x64xf32, #tpu.memory_space<vmem>>) target(%dma_start3A_118 : memref<16x64xf32, #tpu.memory_space<hbm>>) target_semaphore(%arg13 : memref<!tpu.dma_semaphore, #tpu.memory_space<semaphore_mem>>)
    %swap3A_119 = arith.constant 0 : index
    %swap3A_120 = tpu.vector_load %arg7[%swap3A_119] {strides = array<i32>} : memref<48xi32, #tpu.memory_space<vmem>>, vector<16xi32>,
    tpu.vector_store %arg7[%swap3A_119], %scan3A_105 {strides = array<i32>} : memref<48xi32, #tpu.memory_space<vmem>>, vector<16xi32>,
    %mul3A_121 = arith.constant 8 : i32
    %mul3A_122 = arith.muli %arg1, %mul3A_121 : i32
    "tpu.region"() ({
      %run_scoped3A = tpu.sem_alloc : memref<!tpu.dma_semaphore, #tpu.memory_space<semaphore_mem>>
      %dma_start3A_138 = arith.constant 0 : i32
      %dma_start3A_139 = tpu.memref_slice %arg7[%dma_start3A_138] : memref<48xi32, #tpu.memory_space<vmem>> -> memref<8xi32, #tpu.memory_space<vmem>>
      %dma_start3A_140 = tpu.memref_slice %arg10[%mul3A_122] : memref<128xi32, #tpu.memory_space<vmem_shared>> -> memref<8xi32, #tpu.memory_space<vmem_shared>>
      %dma_start3A_141 = tpu.memref_slice %arg10[%mul3A_122] : memref<128xi32, #tpu.memory_space<vmem_shared>> -> memref<8xi32, #tpu.memory_space<vmem_shared>>
      %dma_start3A_142 = arith.constant 0 : i32
      %dma_start3A_143 = tpu.memref_slice %arg7[%dma_start3A_142] : memref<48xi32, #tpu.memory_space<vmem>> -> memref<8xi32, #tpu.memory_space<vmem>>
      tpu.enqueue_dma source(%dma_start3A_143 : memref<8xi32, #tpu.memory_space<vmem>>) target(%dma_start3A_141 : memref<8xi32, #tpu.memory_space<vmem_shared>>) target_semaphore(%run_scoped3A : memref<!tpu.dma_semaphore, #tpu.memory_space<semaphore_mem>>)
      %dma_wait3A_144 = arith.constant 0 : i32
      %dma_wait3A_145 = tpu.memref_slice %arg7[%dma_wait3A_144] : memref<48xi32, #tpu.memory_space<vmem>> -> memref<8xi32, #tpu.memory_space<vmem>>
      %dma_wait3A_146 = tpu.memref_slice %arg10[%mul3A_122] : memref<128xi32, #tpu.memory_space<vmem_shared>> -> memref<8xi32, #tpu.memory_space<vmem_shared>>
      %dma_wait3A_147 = tpu.memref_slice %arg10[%mul3A_122] : memref<128xi32, #tpu.memory_space<vmem_shared>> -> memref<8xi32, #tpu.memory_space<vmem_shared>>
      %dma_wait3A_148 = arith.constant 0 : i32
      %dma_wait3A_149 = tpu.memref_slice %arg7[%dma_wait3A_148] : memref<48xi32, #tpu.memory_space<vmem>> -> memref<8xi32, #tpu.memory_space<vmem>>
      tpu.wait_dma2 semaphore(%run_scoped3A : memref<!tpu.dma_semaphore, #tpu.memory_space<semaphore_mem>>) src(%dma_wait3A_149 : memref<8xi32, #tpu.memory_space<vmem>>) dst(%dma_wait3A_147 : memref<8xi32, #tpu.memory_space<vmem_shared>>)
      tpu.yield
    }) : () -> ()
    %dma_wait3A_123 = arith.constant 0 : i32
    %dma_wait3A_124 = tpu.memref_slice %arg3[%add3A, %mul3A_99, %dma_wait3A_123] : memref<16x32x64xi32, #tpu.memory_space<hbm>> -> memref<1x16x64xi32, #tpu.memory_space<hbm>>
    %dma_wait3A_125 = tpu.memref_squeeze %dma_wait3A_124 : memref<1x16x64xi32, #tpu.memory_space<hbm>> -> memref<16x64xi32, #tpu.memory_space<hbm>>
    %dma_wait3A_126 = arith.constant 0 : i32
    %dma_wait3A_127 = tpu.memref_slice %arg3[%add3A, %mul3A_99, %dma_wait3A_126] : memref<16x32x64xi32, #tpu.memory_space<hbm>> -> memref<1x16x64xi32, #tpu.memory_space<hbm>>
    %dma_wait3A_128 = tpu.memref_squeeze %dma_wait3A_127 : memref<1x16x64xi32, #tpu.memory_space<hbm>> -> memref<16x64xi32, #tpu.memory_space<hbm>>
    tpu.wait_dma2 semaphore(%arg12 : memref<!tpu.dma_semaphore, #tpu.memory_space<semaphore_mem>>) src(%arg8 : memref<16x64xi32, #tpu.memory_space<vmem>>) dst(%dma_wait3A_128 : memref<16x64xi32, #tpu.memory_space<hbm>>)
    %dma_wait3A_129 = arith.constant 0 : i32
    %dma_wait3A_130 = tpu.memref_slice %arg5[%add3A, %mul3A_99, %dma_wait3A_129] : memref<16x32x64xf32, #tpu.memory_space<hbm>> -> memref<1x16x64xf32, #tpu.memory_space<hbm>>
    %dma_wait3A_131 = tpu.memref_squeeze %dma_wait3A_130 : memref<1x16x64xf32, #tpu.memory_space<hbm>> -> memref<16x64xf32, #tpu.memory_space<hbm>>
    %dma_wait3A_132 = arith.constant 0 : i32
    %dma_wait3A_133 = tpu.memref_slice %arg5[%add3A, %mul3A_99, %dma_wait3A_132] : memref<16x32x64xf32, #tpu.memory_space<hbm>> -> memref<1x16x64xf32, #tpu.memory_space<hbm>>
    %dma_wait3A_134 = tpu.memref_squeeze %dma_wait3A_133 : memref<1x16x64xf32, #tpu.memory_space<hbm>> -> memref<16x64xf32, #tpu.memory_space<hbm>>
    tpu.wait_dma2 semaphore(%arg13 : memref<!tpu.dma_semaphore, #tpu.memory_space<semaphore_mem>>) src(%arg9 : memref<16x64xf32, #tpu.memory_space<vmem>>) dst(%dma_wait3A_134 : memref<16x64xf32, #tpu.memory_space<hbm>>)
    %barrier3A = arith.constant 0 : index
    tpu.barrier barrier_id(%barrier3A)
    %eq3A_135 = arith.constant 0 : i32
    %eq3A_136 = arith.cmpi eq, %arg1, %eq3A_135 : i32
    %convert_element_type3A = arith.extui %eq3A_136 : i1 to i32
    %cond3A = arith.constant 0 : i32
    %cond3A_137 = arith.cmpi ne, %convert_element_type3A, %cond3A : i32
    scf.if %cond3A_137 {
      "tpu.region"() ({
        %run_scoped3A = tpu.sem_alloc : memref<!tpu.dma_semaphore, #tpu.memory_space<semaphore_mem>>
        tpu.enqueue_dma source(%arg10 : memref<128xi32, #tpu.memory_space<vmem_shared>>) target(%arg11 : memref<128xi32, #tpu.memory_space<vmem>>) target_semaphore(%run_scoped3A : memref<!tpu.dma_semaphore, #tpu.memory_space<semaphore_mem>>)
        tpu.wait_dma2 semaphore(%run_scoped3A : memref<!tpu.dma_semaphore, #tpu.memory_space<semaphore_mem>>) src(%arg10 : memref<128xi32, #tpu.memory_space<vmem_shared>>) dst(%arg11 : memref<128xi32, #tpu.memory_space<vmem>>)
        tpu.yield
      }) : () -> ()
      %iota3A_138 = tpu.iota {dimensions = array<i32: 0>} : vector<16xi32>
      %mul3A_139 = arith.constant 16 : i32
      %mul3A_140 = vector.broadcast %mul3A_139 : i32 to vector<16xi32>
      %mul3A_141 = arith.muli %iota3A_138, %mul3A_140 : vector<16xi32>
      %gather3A = tpu.vector_load_idx %arg11[%mul3A_141] : memref<128xi32, #tpu.memory_space<vmem>>[vector<16xi32>], vector<16xi32>,
      %add3A_142 = arith.constant 8 : i32
      %add3A_143 = vector.broadcast %add3A_142 : i32 to vector<16xi32>
      %add3A_144 = arith.addi %mul3A_141, %add3A_143 : vector<16xi32>
      %gather3A_145 = tpu.vector_load_idx %arg11[%add3A_144] : memref<128xi32, #tpu.memory_space<vmem>>[vector<16xi32>], vector<16xi32>,
      %add3A_146 = arith.addi %gather3A, %gather3A_145 : vector<16xi32>
      %swap3A_147 = arith.constant 0 : index
      %swap3A_148 = tpu.vector_load %arg11[%swap3A_147] {strides = array<i32>} : memref<128xi32, #tpu.memory_space<vmem>>, vector<16xi32>,
      tpu.vector_store %arg11[%swap3A_147], %add3A_146 {strides = array<i32>} : memref<128xi32, #tpu.memory_space<vmem>>, vector<16xi32>,
      %mul3A_149 = arith.constant 8 : i32
      %mul3A_150 = arith.muli %arg0, %mul3A_149 : i32
      "tpu.region"() ({
        %run_scoped3A = tpu.sem_alloc : memref<!tpu.dma_semaphore, #tpu.memory_space<semaphore_mem>>
        %dma_start3A_151 = arith.constant 0 : i32
        %dma_start3A_152 = tpu.memref_slice %arg11[%dma_start3A_151] : memref<128xi32, #tpu.memory_space<vmem>> -> memref<8xi32, #tpu.memory_space<vmem>>
        %dma_start3A_153 = tpu.memref_slice %arg4[%mul3A_150] : memref<16xi32, #tpu.memory_space<hbm>> -> memref<8xi32, #tpu.memory_space<hbm>>
        %dma_start3A_154 = tpu.memref_slice %arg4[%mul3A_150] : memref<16xi32, #tpu.memory_space<hbm>> -> memref<8xi32, #tpu.memory_space<hbm>>
        %dma_start3A_155 = arith.constant 0 : i32
        %dma_start3A_156 = tpu.memref_slice %arg11[%dma_start3A_155] : memref<128xi32, #tpu.memory_space<vmem>> -> memref<8xi32, #tpu.memory_space<vmem>>
        tpu.enqueue_dma source(%dma_start3A_156 : memref<8xi32, #tpu.memory_space<vmem>>) target(%dma_start3A_154 : memref<8xi32, #tpu.memory_space<hbm>>) target_semaphore(%run_scoped3A : memref<!tpu.dma_semaphore, #tpu.memory_space<semaphore_mem>>)
        %dma_wait3A_157 = arith.constant 0 : i32
        %dma_wait3A_158 = tpu.memref_slice %arg11[%dma_wait3A_157] : memref<128xi32, #tpu.memory_space<vmem>> -> memref<8xi32, #tpu.memory_space<vmem>>
        %dma_wait3A_159 = tpu.memref_slice %arg4[%mul3A_150] : memref<16xi32, #tpu.memory_space<hbm>> -> memref<8xi32, #tpu.memory_space<hbm>>
        %dma_wait3A_160 = tpu.memref_slice %arg4[%mul3A_150] : memref<16xi32, #tpu.memory_space<hbm>> -> memref<8xi32, #tpu.memory_space<hbm>>
        %dma_wait3A_161 = arith.constant 0 : i32
        %dma_wait3A_162 = tpu.memref_slice %arg11[%dma_wait3A_161] : memref<128xi32, #tpu.memory_space<vmem>> -> memref<8xi32, #tpu.memory_space<vmem>>
        tpu.wait_dma2 semaphore(%run_scoped3A : memref<!tpu.dma_semaphore, #tpu.memory_space<semaphore_mem>>) src(%dma_wait3A_162 : memref<8xi32, #tpu.memory_space<vmem>>) dst(%dma_wait3A_160 : memref<8xi32, #tpu.memory_space<hbm>>)
        tpu.yield
      }) : () -> ()
    } else {
    }
    return
  }
}

</mosaic_0001>

<sc_bundles>
// kernel: kernel.3.cloned.1.call-start
scs
__scs_entry_jumppad:
0x0: {  	(pc) =	sbr.rel $0x88, $3  }
0x1: {  	(tag) =	ssettag $0x0;
	lr =	simm.s32 $0x1  }
0x2: {  	[smem:$0x3FA0] =	sst lr;
	_ =	strace $0xD0000000  }
0x3: {  	_ = 	snop  }
0x4: {  	_ = 	snop  }
0x5: {  	_ = 	snop  }
0x6: {  	_ = 	snop  }
0x7: {  	_ = 	snop  }
__scs_overlays_trampoline_lowered:
0x8: {  	[smem:$0x3FAF] =	sst s0  }
0x9: {  	[smem:$0x3FB0] =	sst s1  }
0xa: {  	[smem:$0x3FB1] =	sst s2  }
0xb: {  	[smem:$0x3FB2] =	sst s3  }
0xc: {  	[smem:$0x3FB3] =	sst s4  }
0xd: {  	[smem:$0x3FB4] =	sst s5  }
0xe: {  	[smem:$0x3FB5] =	sst s6  }
0xf: {  	[smem:$0x3FB6] =	sst s7  }
0x10: {  	[smem:$0x3FB7] =	sst s8  }
0x11: {  	[smem:$0x3FB8] =	sst s9;
	s0 =	simm.s32 @!p0 $0x0  }
0x12: {  	s1 =	sld [smem:$0x3F9E];
	s0 =	simm.s32 @p0 $0x1  }
0x13: {  	[smem:$0x3FB9] =	sst s0;
	s0 =	simm.s32 @!p1 $0x0  }
0x14: {  	s2 =	sld [smem:$0x3F9D];
	s0 =	simm.s32 @p1 $0x1  }
0x15: {  	[smem:$0x3FBA] =	sst s0;
	s0 =	simm.s32 @!p2 $0x0  }
0x16: {  	s3 =	sld [smem:$0x3FDB];
	s0 =	simm.s32 @p2 $0x1  }
0x17: {  	s4 =	simm.s32 $0x1BF5;
	[smem:$0x3FBC] =	sst s0  }
0x18: {  	s0 =	sld [smem:$0x3F9F];
	_ =	swait.ge [sflag:s4], $0x0  }
0x19: {  	s7 =	sld [smem:$0x3FA0]  }
0x1a: {  	s8 =	sadd.s32 $0xFFFFE003, lr  }
0x1b: {  	s9 =	sadd.s32 $0xFFFFFEF7, lr;
	s5 =	simm.s32 $0xFFFFFFFF;
	p2 =	slt.u32 s8, $0xFFFFF086  }
0x1c: {  	p1 =	slt.u32 s9, $0xF7A;
	s5 =	simm.s32 @!p2 $0x0  }
0x1d: {  	s5 =	simm.s32 @p1 $0x1;
	p0 =	seq.s32 s7, s2  }
0x1e: {  	s7 =	smul.u32 @!p0 $0xF7A, s2;
	p2 =	seq.s32 @!p0 s5, $0x0  }
0x1f: {  	s9 =	smul.u32 $0xF7A, s1;
	s8 =	simm.s32 @!p0 $0x1BF5;
	p2 =	por !p2, p0  }
0x20: {  	[sflag:s8] =	ssyncset.s32 @!p0 $0xFFFFF086;
	s6 =	sadd.s32 @!p0 s3, s7;
	s7 =	simm.s32 @!p0 $0x108  }
0x21: {  	s3 =	sadd.s32 s3, s9;
	s6 =	sadd.s32 @!p0 $0x88, s6;
	s7 =	simm.s32 @p2 $0x1082  }
0x22: {  	[simem:s7], [sflag:s8] =	dma.local @!p0 [hbm:s6], $0xF7A  }
0x23: {  	s9 =	sor.u32 $0xD0000000, s2;
	s6 =	simm.s32 $0x108;
	_ =	swait.ge @!p0 [sflag:s8], $0x0  }
0x24: {  	s3 =	sadd.s32 $0x88, s3;
	s6 =	simm.s32 @!p1 $0x1082;
	[sflag:s4] =	ssyncset.s32 $0xFFFFF086  }
0x25: {  	[simem:s6], [sflag:s4] =	dma.local [hbm:s3], $0xF7A  }
0x26: {  	[smem:$0x3FA0] =	sst s1;
	(tag) =	ssettag s2;
	_ =	strace s9  }
0x27: {  	s1 =	sld [smem:$0x3FB0]  }
0x28: {  	s2 =	sld [smem:$0x3FB1]  }
0x29: {  	s4 =	sld [smem:$0x3FB3]  }
0x2a: {  	p0 =	seq.s32 s5, $0x0;
	s5 =	sld [smem:$0x3FB4]  }
0x2b: {  	s6 =	sld [smem:$0x3FB5]  }
0x2c: {  	s7 =	sld [smem:$0x3FB6]  }
0x2d: {  	s3 =	simm.s32 $0x108;
	s8 =	sld [smem:$0x3FB7]  }
0x2e: {  	s3 =	simm.s32 @!p0 $0x1082;
	s9 =	sld [smem:$0x3FB8]  }
0x2f: {  	lr =	sadd.s32 s0, s3;
	s0 =	sld [smem:$0x3FAF]  }
0x30: {  	s3 =	sld [smem:$0x3FB2]  }
0x31: {  	[smem:$0x3FBB] =	sst s10  }
0x32: {  	s10 =	sld [smem:$0x3FB9];
	_ =	sdelay $0x3  }
0x33: {  	p0 =	seq.s32 s10, $0x1;
	s10 =	sld [smem:$0x3FBB];
	_ =	sdelay $0x3  }
0x34: {  	[smem:$0x3FBB] =	sst s10  }
0x35: {  	s10 =	sld [smem:$0x3FBA];
	_ =	sdelay $0x3  }
0x36: {  	p1 =	seq.s32 s10, $0x1;
	s10 =	sld [smem:$0x3FBB];
	_ =	sdelay $0x3  }
0x37: {  	[smem:$0x3FBB] =	sst s10  }
0x38: {  	s10 =	sld [smem:$0x3FBC]  }
0x39: {  	_ = 	snop;
	(pc) =	sbr.ind lr, $3  }
0x3a: {  	_ = 	snop  }
0x3b: {  	_ = 	snop  }
0x3c: {  	p2 =	seq.s32 s10, $0x1;
	s10 =	sld [smem:$0x3FBB]  }
0x3d: {  	_ =	shalt  }
0x3e: {  	_ =	shalt  }
0x3f: {  	_ =	shalt  }
0x40: {  	_ =	shalt  }
0x41: {  	_ =	shalt  }
0x42: {  	_ =	shalt  }
0x43: {  	_ =	shalt  }
0x44: {  	_ =	shalt  }
0x45: {  	_ =	shalt  }
0x46: {  	_ =	shalt  }
0x47: {  	_ =	shalt  }
0x48: {  	_ =	shalt  }
0x49: {  	_ =	shalt  }
0x4a: {  	_ =	shalt  }
0x4b: {  	_ =	shalt  }
0x4c: {  	_ =	shalt  }
0x4d: {  	_ =	shalt  }
0x4e: {  	_ =	shalt  }
0x4f: {  	_ =	shalt  }
0x50: {  	_ =	shalt  }
0x51: {  	_ =	shalt  }
0x52: {  	_ =	shalt  }
0x53: {  	_ =	shalt  }
0x54: {  	_ =	shalt  }
0x55: {  	_ =	shalt  }
0x56: {  	_ =	shalt  }
0x57: {  	_ =	shalt  }
0x58: {  	_ =	shalt  }
0x59: {  	_ =	shalt  }
0x5a: {  	_ =	shalt  }
0x5b: {  	_ =	shalt  }
0x5c: {  	_ =	shalt  }
0x5d: {  	_ =	shalt  }
0x5e: {  	_ =	shalt  }
0x5f: {  	_ =	shalt  }
0x60: {  	_ =	shalt  }
0x61: {  	_ =	shalt  }
0x62: {  	_ =	shalt  }
0x63: {  	_ =	shalt  }
0x64: {  	_ =	shalt  }
0x65: {  	_ =	shalt  }
0x66: {  	_ =	shalt  }
0x67: {  	_ =	shalt  }
0x68: {  	_ =	shalt  }
0x69: {  	_ =	shalt  }
0x6a: {  	_ =	shalt  }
0x6b: {  	_ =	shalt  }
0x6c: {  	_ =	shalt  }
0x6d: {  	_ =	shalt  }
0x6e: {  	_ =	shalt  }
0x6f: {  	_ =	shalt  }
0x70: {  	_ =	shalt  }
0x71: {  	_ =	shalt  }
0x72: {  	_ =	shalt  }
0x73: {  	_ =	shalt  }
0x74: {  	_ =	shalt  }
0x75: {  	_ =	shalt  }
0x76: {  	_ =	shalt  }
0x77: {  	_ =	shalt  }
0x78: {  	_ =	shalt  }
0x79: {  	_ =	shalt  }
0x7a: {  	_ =	shalt  }
0x7b: {  	_ =	shalt  }
0x7c: {  	_ =	shalt  }
0x7d: {  	_ =	shalt  }
0x7e: {  	_ =	shalt  }
0x7f: {  	_ =	shalt  }
0x80: {  	_ =	shalt  }
0x81: {  	_ =	shalt  }
0x82: {  	_ =	shalt  }
0x83: {  	_ =	shalt  }
0x84: {  	_ =	shalt  }
0x85: {  	_ =	shalt  }
0x86: {  	_ =	shalt  }
0x87: {  	_ =	shalt  }
.Lfunc_end0:
.L_simem_size_0:
called_computation_lowered:
.L_overlay_start_0:
0x88: {  	s2 =	sld [smem:$0x3FD9]  }
0x89: {  	s3 =	sld [smem:$0x3FFE];
	_ =	sdelay $0x1  }
0x8a: {  	s1 =	srdreg.scid  }
0x8b: {  	s0 =	sand.u32 $0x1, s1  }
0x8c: {  	s15 =	sshll.u32 s0, $0xA;
	s2 =	sadd.s32 s3, s2  }
0x8d: {  	s2 =	sadd.s32 s2, s15  }
0x8e: {  	[smem:$0x3FC7] =	sst s2  }
0x8f: {  	_ = 	snop  }
0x90: {  	s2 =	sld [smem:$0x3FD0];
	_ =	sdelay $0x2  }
0x91: {  	s4 =	simm.s32 $0xA;
	s5 =	simm.s32 $0x10;
	s16 =	sld [smem:$0x3FC9]  }
0x92: {  	[smem:s5], [sflag:s4] =	dma.local [hbm:s2], $0x1  }
0x93: {  	_ =	swait.eq [sflag:s4], $0x1  }
0x94: {  	s17 =	sld [smem:$0x10];
	[sflag:s4] =	ssyncset.done $0x0  }
0x95: {  	s18 =	sld [smem:$0x11];
	[sflag:s4] =	ssyncadd.s32 $0xFFFFFFFF  }
0x96: {  	s19 =	sld [smem:$0x12];
	(tm) =	ssettm $0x1  }
0x97: {  	s6 =	sld [smem:$0x3FFB];
	_ =	sdelay $0x3  }
0x98: {  	_ =	strace s6  }
0x99: {  	s6 =	sld [smem:$0x3FFC];
	_ =	sdelay $0x3  }
0x9a: {  	_ =	strace s6  }
0x9b: {  	s6 =	sld [smem:$0x3FFD];
	_ =	sdelay $0x3  }
0x9c: {  	_ =	strace s6  }
0x9d: {  	_ =	strace $0x8FFFFFFF  }
0x9e: {  	s20 =	sld [smem:$0x3FDB];
	_ =	sdelay $0x1  }
0x9f: {  	s7 =	simm.s32 $_scs_section_size  }
0xa0: {  	s8 =	simm.s32 $_size__tile_overlayer_lowered;
	s9 =	simm.s32 $_tile_overlayer_lowered  }
0xa1: {  	s23 =	simm.s32 $0x1BFF;
	s22 =	sshll.u32 s9, $0x1;
	s6 =	sadd.s32 s7, s20  }
0xa2: {  	s10 =	simm.s32 $0x0;
	s21 =	sshll.u32 s8, $0x1;
	s8 =	sadd.s32 s22, s6  }
0xa3: {  	[timem:s10], [sflag:s23] =	dma.local [hbm:s8], s21  }
0xa4: {  	_ =	swait.ge [sflag:s23], s21  }
0xa5: {  	s7 =	ssub.s32 $0x0, s21;
	[sflag:s23] =	ssyncset.done $0x0  }
0xa6: {  	[sflag:s23] =	ssyncadd.s32 s7;
	_ =	sdelay $0x1  }
0xa7: {  	s24 =	simm.s32 $0x1B8B  }
0xa8: {  	_ =	swait.ge [sflag:s24], $0x1  }
0xa9: {  	[sflag:s24] =	ssyncset.done $0x0  }
0xaa: {  	s25 =	simm.s32 $0x1B8E;
	[sflag:s24] =	ssyncadd.s32 $0xFFFFFFFF  }
0xab: {  	s26 =	simm.s32 $execute0_lowered;
	[smem:$0x3FD2] =	sst s25  }
0xac: {  	s7 =	sshll.u32 s26, $0x1;
	_ =	strace $0x80000046;
	[dreg:$0x1] =	wrdreg $0xFFFFFFFF  }
0xad: {  	s28 =	simm.s32 $_size_execute0_lowered;
	s6 =	sadd.s32 s6, s7;
	[dreg:$0x0] =	wrdreg $0x0  }
0xae: {  	s7 =	sshll.u32 s28, $0x1;
	[dreg:$0x2] =	wrdreg s6  }
0xaf: {  	[dreg:$0x3] =	wrdreg s7  }
0xb0: {  	[dreg:$0x4] =	wrdreg $0xC0  }
0xb1: {  	_ =	task [dreg:s10], $0x5FFFF  }
0xb2: {  	[dreg:$0x1] =	wrdreg $0xFFFFFFFF  }
0xb3: {  	[dreg:$0x0] =	wrdreg $0x60  }
0xb4: {  	[dreg:$0x2] =	wrdreg s16  }
0xb5: {  	[dreg:$0x3] =	wrdreg s17  }
0xb6: {  	[dreg:$0x4] =	wrdreg s18  }
0xb7: {  	[dreg:$0x5] =	wrdreg s19  }
0xb8: {  	[dreg:$0x6] =	wrdreg $0x19000  }
0xb9: {  	[dreg:$0x7] =	wrdreg $0x9  }
0xba: {  	_ =	task.clear_ibuf [dreg:s10], $0x8FFFF;
	_ =	strace $0x90000046  }
0xbb: {  	s29 =	simm.s32 $0x9;
	_ =	strace $0x80000048  }
0xbc: {  	_ =	swait.ge [sflag:s29], $0x1  }
0xbd: {  	[sflag:s29] =	ssyncadd.s32 $0xFFFFFFFF  }
0xbe: {  	_ =	strace $0x90000048  }
0xbf: {  	_ =	sfence  }
0xc0: {  	s30 =	sld [smem:$0x0];
	_ =	sdelay $0x2  }
0xc1: {  	s31 =	sshll.u32 s1, $0xD;
	s1 =	sshrl.u32 s1, $0x2  }
0xc2: {  	s3 =	sand.u32 $0x4000, s31;
	s1 =	sadd.s32 s1, s30  }
0xc3: {  	s0 =	sor.u32 s3, s0;
	s1 =	sshll.u32 s1, $0x11  }
0xc4: {  	s0 =	sor.u32 s1, s0  }
0xc5: {  	s0 =	sadd.s32 $0x8F2B, s0  }
0xc6: {  	[sflag:s0] =	ssyncadd.remote.s32 $0x1  }
0xc7: {  	_ =	sfence.sel $0xFFFF  }
0xc8: {  	[dreg:$0x0] =	wrdreg $0xFFFFFFFF;
	(pc) =	sbr.abs _section_cstart, $3  }
0xc9: {  	[dreg:$0x1] =	wrdreg $0xFFFFFFFF  }
0xca: {  	_ =	task.clear_ibuf [dreg:s10], $0x2FFFF;
	_ =	strace $0x9FFFFFFF  }
0xcb: {  	(tm) =	ssettm $0x7FFFFFFF  }
tec
execute0_lowered:
.L_overlay_start_1:
0x0: {  	(tag) =	ssettag $0x1  }
0x1: {  	s4 =	rddreg [dreg:$0x0]  }
0x2: {  	s6 =	rddreg [dreg:$0x1]  }
0x3: {  	s9 =	rddreg [dreg:$0x2]  }
0x4: {  	s7 =	rddreg [dreg:$0x3]  }
0x5: {  	s1 =	rddreg [dreg:$0x4]  }
0x6: {  	s0 =	rddreg [dreg:$0x5];
	s2 =	simm.s32 $0x0;
	s3 =	srdreg.scid  }
0x7: {  	s16 =	stileid.u32;
	s14 =	simm.s32 $0x2;
	s15 =	simm.s32 $0x880  }
0x8: {  	s17 =	simm.s32 $0x1100;
	s18 =	simm.s32 $0x3;
	s19 =	simm.s32 $0x0  }
0x9: {  	[smem:$0x7FF] =	sst s2;
	s10 =	sand.u32 $0x1, s3;
	s5 =	sshrl.u32 s16, $0x1  }
0xa: {  	s26 =	sshll.u32 s16, $0x4;
	s31 =	sshll.u32 s16, $0x3;
	p0 =	sne.s32 s16, $0x0  }
0xb: {  	s16 =	simm.s32 $0x900;
	_ =	strace $0x80000047;
	s3 =	ssub.s32 $0x2, s10  }
0xc: {  	s11 =	sshll.u32 s10, $0xB;
	s12 =	sshll.u32 s5, $0x4;
	s28 =	sshll.u32 s10, $0xC  }
0xd: {  	s5 =	sshll.u32 s5, $0x9;
	s9 =	sadd.s32 s9, s10;
	s8 =	sshrl.u32 s3, $0x1  }
0xe: {  	s25 =	sor.u32 s11, s12;
	s29 =	sor.u32 s28, s5;
	s11 =	simm.s32 $0x80  }
0xf: {  	vm0 =	vcmask $0x300;
	s13 =	ssub.s32 s3, s8;
	s3 =	sand.u32 $0x10, s26;
	s4 =	sadd.s32 s4, s25  }
0x10: {  	v0 =	vimm.s32 $0x0;
	v1 =	vimm.s32 $0x801;
	v2 =	vlaneseq.u32;
	s12 =	simm.s32 $0x400;
	s30 =	sshll.u32 s3, $0x4;
	s5 =	sadd.s32 $0x400, s4  }
0x11: {  	v8 =	vimm.f32 $0.0e+00;
	v3 =	vsel vm0, $0x1, v0;
	v4 =	vsel vm0, $0x0, v1;
	s10 =	smax.u32 s13, $0x1;
	s13 =	simm.s32 $0x1;
	s8 =	sor.u32 s30, s29  }
0x12: {  	v5 =	vor.u32 $0x10, v2;
	v6 =	vor.u32 $0x20, v2;
	v7 =	vor.u32 $0x30, v2;
	s6 =	sadd.s32 s6, s8;
	s7 =	sadd.s32 s7, s8;
	s8 =	sadd.s32 s31, s1  }
.LBB2_1:
0x13: {  	[tilespmem:s2], [sflag:$0x1] =	stream.strided.gather [hbm4b:s4+s11], $0x400, s12, s11, $0x38;
	[tilespmem:$0x1988] =	vst v63  }
0x14: {  	_ = 	snop  }
0x15: {  	[tilespmem:s12], [sflag:$0x2] =	stream.strided.gather [hbm4b:s5+s11], $0x400, s12, s11, $0x38;
	[tilespmem:$0x1988] =	vst v63  }
0x16: {  	[tilespmem:$0x800] =	vst v3  }
0x17: {  	[tilespmem:$0x880] =	vst v4  }
0x18: {  	[tilespmem:$0x890] =	vst v1  }
0x19: {  	[tilespmem:$0x8A0] =	vst v1  }
0x1a: {  	s23 =	simm.s32 $0xFFFFFFFF;
	s26 =	simm.s32 $0x10;
	_ =	swait.ge [sflag:s13], $0x400  }
0x1b: {  	s28 =	simm.s32 $0x10;
	s24 =	simm.s32 $0x0;
	[sflag:s13] =	ssyncset.done $0x0  }
0x1c: {  	s25 =	simm.s32 $0x0;
	s20 =	simm.s32 $0x0;
	[sflag:s13] =	ssyncadd.s32 $0xFFFFFC00  }
.LBB2_2:
0x1d: {  	v9 =	vld [tilespmem:s25+$0x0];
	_ =	sdelay $0x4  }
0x1e: {  	vm0 =	veq.s32 v9, $0x1  }
0x1f: {  	v10 =	vmpcnt.ones.xlane vm0;
	_ =	sdelay $0x1  }
0x20: {  	(v2sf) =	vpush v10, $0x0;
	_ =	sdelay $0xe  }
0x21: {  	s21 =	spop (v2sf)  }
0x22: {  	p1 =	seq.s32 s21, $0x0  }
0x23: {  	vm0 =	veq.s32 @!p1 v9, $0x1;
	v9 =	vimm.s32 @!p1 $0x0  }
0x24: {  	v9 =	vsel @!p1 vm0, $0x1, v9  }
0x25: {  	(xrf0) =	vadd.scan.msk.s32 @!p1 $0xffff, v9;
	_ =	sdelay $0x5  }
0x26: {  	v9, _, _ =	vpop @!p1 (xrf0)  }
0x27: {  	s23 =	sadd.s32 $0x1, s23;
	v9 =	vadd.s32 @!p1 s20, v9  }
0x28: {  	p2 =	sgt.u32 s23, $0x3E;
	s20 =	sadd.s32 s20, s21;
	vm1 =	vlt.s32 @!p1 v9, $0x20  }
0x29: {  	p3 =	slt.s32 @!p2 s20, $0x1F;
	vm0 =	vmand @!p1 vm0, vm1  }
0x2a: {  	v9 =	vnsel @!p1 vm1, $0x20, v9;
	p2 =	por p2, !p3  }
.Ltmp0:
0x2b: {  	_ = 	snop;
	(pc) =	sbr.rel @!p2 .LBB2_2-.Ltmp0, $4  }
0x2c: {  	v10 =	vlaneseq.u32 @!p1  }
0x2d: {  	s22 =	smov.u32 s26;
	v10 =	vadd.s32 @!p1 $0x1, v10  }
0x2e: {  	s25 =	sadd.s32 $0x10, s25;
	s26 =	simm.s32 @!p1 $0x880;
	v10 =	vadd.s32 @!p1 s24, v10;
	s24 =	sadd.s32 $0x10, s24  }
0x2f: {  	s21 =	smov.u32 s28;
	s28 =	sadd.s32 $0x10, s28;
	[tilespmem:v9+s26+$0x0] =	vst.idx.msk @!p1 vm0, v10;
	s26 =	sadd.s32 $0x10, s22  }
0x30: {  	p1 =	sgt.u32 s23, $0x7E  }
0x31: {  	p2 =	sgt.s32 @!p1 s20, $0x1E  }
0x32: {  	p1 =	por p1, p2  }
.Ltmp1:
0x33: {  	_ = 	snop;
	(pc) =	sbr.rel @p1 .LBB2_6-.Ltmp1, $4  }
0x34: {  	_ = 	snop  }
0x35: {  	_ =	swait.ge [sflag:s14], $0x400  }
0x36: {  	[sflag:s14] =	ssyncset.done $0x0  }
0x37: {  	[sflag:s14] =	ssyncadd.s32 $0xFFFFFC00  }
0x38: {  	s23 =	sadd.s32 $0x1, s23  }
.LBB2_5:
0x39: {  	v9 =	vld [tilespmem:s21+$0x0];
	_ =	sdelay $0x4  }
0x3a: {  	vm0 =	veq.s32 v9, $0x1  }
0x3b: {  	v10 =	vmpcnt.ones.xlane vm0;
	_ =	sdelay $0x1  }
0x3c: {  	(v2sf) =	vpush v10, $0x0;
	_ =	sdelay $0xe  }
0x3d: {  	s24 =	spop (v2sf)  }
0x3e: {  	p1 =	seq.s32 s24, $0x0  }
0x3f: {  	vm0 =	veq.s32 @!p1 v9, $0x1;
	v9 =	vimm.s32 @!p1 $0x0  }
0x40: {  	v9 =	vsel @!p1 vm0, $0x1, v9  }
0x41: {  	(xrf0) =	vadd.scan.msk.s32 @!p1 $0xffff, v9;
	_ =	sdelay $0x5  }
0x42: {  	v9, _, _ =	vpop @!p1 (xrf0)  }
0x43: {  	v9 =	vadd.s32 @!p1 s20, v9  }
0x44: {  	p2 =	sgt.u32 s23, $0x7E;
	s20 =	sadd.s32 s20, s24;
	vm1 =	vlt.s32 @!p1 v9, $0x20  }
0x45: {  	p3 =	slt.s32 @!p2 s20, $0x1F;
	vm0 =	vmand @!p1 vm0, vm1  }
0x46: {  	v9 =	vnsel @!p1 vm1, $0x20, v9;
	p2 =	por p2, !p3  }
.Ltmp2:
0x47: {  	_ = 	snop;
	(pc) =	sbr.rel @!p2 .LBB2_5-.Ltmp2, $4  }
0x48: {  	v10 =	vlaneseq.u32 @!p1  }
0x49: {  	v10 =	vadd.s32 @!p1 $0x1, v10  }
0x4a: {  	v10 =	vadd.s32 @!p1 s22, v10;
	s24 =	simm.s32 @!p1 $0x880  }
0x4b: {  	s23 =	sadd.s32 $0x1, s23;
	s21 =	sadd.s32 $0x10, s21;
	s22 =	sadd.s32 $0x10, s22;
	[tilespmem:v9+s24+$0x0] =	vst.idx.msk @!p1 vm0, v10  }
.LBB2_6:
0x4c: {  	v9 =	vmov s3;
	_ =	sdelay $0x4  }
0x4d: {  	v10 =	vld.idx.msk [tilespmem:v9+s15+$0x0], $0xffff;
	_ =	sdelay $0x3  }
0x4e: {  	v9 =	vadd.s32 $0x1, v9  }
0x4f: {  	v11 =	vadd.s32 v2, v10  }
0x50: {  	vm0 =	vlt.s32 v11, $0x800  }
0x51: {  	v11 =	vnsel vm0, $0x800, v11;
	_ =	sdelay $0x1  }
0x52: {  	v9 =	vld.idx.msk [tilespmem:v9+s15+$0x0], $0xffff;
	_ =	sdelay $0x2  }
0x53: {  	v12 =	vadd.s32 v5, v10;
	v11 =	vld.idx.msk [tilespmem:v11+s2+$0x0], $0xffff  }
0x54: {  	vm0 =	vlt.s32 v12, $0x800  }
0x55: {  	v12 =	vnsel vm0, $0x800, v12;
	v9 =	vsub.s32 v9, v10  }
0x56: {  	vm0 =	vne.s32 v9, $0x1;
	vm1 =	vgt.s32 v9, v2  }
0x57: {  	vm0 =	vmand vm0, vm1  }
0x58: {  	s21 =	simm.s32 $0x0;
	v11 =	vnsel vm0, $0x0, v11  }
0x59: {  	[tilespmem:s21+$0x900] =	vst v11  }
0x5a: {  	v13 =	vadd.s32 v6, v10;
	v12 =	vld.idx.msk [tilespmem:v12+s2+$0x0], $0xffff  }
0x5b: {  	vm0 =	vlt.s32 v13, $0x800  }
0x5c: {  	v13 =	vnsel vm0, $0x800, v13;
	_ =	sdelay $0x1  }
0x5d: {  	vm0 =	vgt.s32 v9, v5  }
0x5e: {  	v12 =	vnsel vm0, $0x0, v12  }
0x5f: {  	[tilespmem:s21+$0x910] =	vst v12  }
0x60: {  	v10 =	vadd.s32 v7, v10;
	v13 =	vld.idx.msk [tilespmem:v13+s2+$0x0], $0xffff  }
0x61: {  	vm0 =	vlt.s32 v10, $0x800  }
0x62: {  	v10 =	vnsel vm0, $0x800, v10;
	_ =	sdelay $0x1  }
0x63: {  	vm0 =	vgt.s32 v9, v6  }
0x64: {  	v13 =	vnsel vm0, $0x0, v13  }
0x65: {  	[tilespmem:s21+$0x920] =	vst v13  }
0x66: {  	v10 =	vld.idx.msk [tilespmem:v10+s2+$0x0], $0xffff;
	_ =	sdelay $0x2  }
0x67: {  	vm0 =	vne.s32 v12, $0x0  }
0x68: {  	vm1 =	vne.s32 v11, $0x0;
	v11 =	vmpcnt.ones.xlane vm0;
	vm0 =	vgt.s32 v9, v7  }
0x69: {  	vm2 =	vne.s32 v13, $0x0;
	v9 =	vmpcnt.ones.xlane vm1;
	v10 =	vnsel vm0, $0x0, v10  }
0x6a: {  	v12 =	vmpcnt.ones.xlane vm2;
	vm0 =	vne.s32 v10, $0x0  }
0x6b: {  	v9 =	vadd.s32 v9, v11;
	v11 =	vmpcnt.ones.xlane vm0  }
0x6c: {  	v12 =	vadd.s32 v9, v12  }
0x6d: {  	s22 =	sadd.s32 $0x1, s3;
	v9 =	vimm.s32 $0x0;
	v11 =	vadd.s32 v12, v11  }
0x6e: {  	[tilespmem:s21+$0x930] =	vst v10;
	v10 =	vmov s22;
	vm2 =	vgt.s32 v11, v2;
	vm1 =	vgt.s32 v11, v5  }
0x6f: {  	s20 =	simm.s32 $0x200;
	s23 =	simm.s32 $0x400;
	vm0 =	vne.s32 v11, $0x0;
	v12 =	vsel vm2, $0x3F800000, v8;
	vm2 =	vgt.s32 v11, v7  }
.LBB2_7:
0x70: {  	p1 =	sne.s32 s23, $0x1E00;
	[tilespmem:s21+$0x1100] =	vst v12;
	v12 =	vsel vm1, $0x3F800000, v8;
	vm1 =	vgt.s32 v11, v6;
	v11 =	vsel vm2, $0x3F800000, v8;
	s24 =	smov.u32 s23;
	s23 =	sadd.s32 $0x200, s23  }
0x71: {  	v13 =	vsel vm0, $0x1, v0;
	[tilespmem:s21+$0x1110] =	vst v12;
	v12 =	vsel vm1, $0x3F800000, v8  }
0x72: {  	v9 =	vadd.s32 v13, v9;
	[tilespmem:s21+$0x1120] =	vst v12  }
0x73: {  	[tilespmem:s21+$0x1130] =	vst v11  }
0x74: {  	v11 =	vld.idx.msk [tilespmem:v10+s15+$0x0], $0xffff;
	_ =	sdelay $0x4  }
0x75: {  	v10 =	vadd.s32 $0x1, v10  }
0x76: {  	v12 =	vadd.s32 v2, v11;
	v13 =	vadd.s32 v5, v11;
	v14 =	vadd.s32 v6, v11  }
0x77: {  	vm0 =	vlt.s32 v12, $0x800;
	vm1 =	vlt.s32 v13, $0x800;
	vm2 =	vlt.s32 v14, $0x800  }
0x78: {  	v12 =	vnsel vm0, $0x800, v12;
	v13 =	vnsel vm1, $0x800, v13;
	v14 =	vnsel vm2, $0x800, v14  }
0x79: {  	v15 =	vadd.s32 v7, v11  }
0x7a: {  	vm0 =	vlt.s32 v15, $0x800;
	v10 =	vld.idx.msk [tilespmem:v10+s15+$0x0], $0xffff  }
0x7b: {  	v15 =	vnsel vm0, $0x800, v15;
	_ =	sdelay $0x1  }
0x7c: {  	v12 =	vld.idx.msk [tilespmem:v12+s2+$0x0], $0xffff;
	_ =	sdelay $0x2  }
0x7d: {  	v10 =	vsub.s32 v10, v11  }
0x7e: {  	vm0 =	vne.s32 v10, $0x1;
	vm1 =	vgt.s32 v10, v2  }
0x7f: {  	vm0 =	vmand vm0, vm1  }
0x80: {  	s21 =	sshra.s32 s20, $0x2;
	s20 =	smov.u32 s24;
	v11 =	vnsel vm0, $0x0, v12  }
0x81: {  	vm0 =	vne.s32 v11, $0x0;
	[tilespmem:s21+$0x900] =	vst v11  }
0x82: {  	v11 =	vld.idx.msk [tilespmem:v13+s2+$0x0], $0xffff;
	_ =	sdelay $0x4  }
0x83: {  	vm1 =	vgt.s32 v10, v5  }
0x84: {  	v11 =	vnsel vm1, $0x0, v11  }
0x85: {  	vm1 =	vne.s32 v11, $0x0;
	[tilespmem:s21+$0x910] =	vst v11  }
0x86: {  	v11 =	vmpcnt.ones.xlane vm1;
	v12 =	vld.idx.msk [tilespmem:v14+s2+$0x0], $0xffff;
	_ =	sdelay $0x4  }
0x87: {  	vm1 =	vgt.s32 v10, v6  }
0x88: {  	v12 =	vnsel vm1, $0x0, v12  }
0x89: {  	vm1 =	vne.s32 v12, $0x0;
	[tilespmem:s21+$0x920] =	vst v12  }
0x8a: {  	v12 =	vmpcnt.ones.xlane vm1;
	v13 =	vld.idx.msk [tilespmem:v15+s2+$0x0], $0xffff;
	_ =	sdelay $0x4  }
0x8b: {  	vm1 =	vgt.s32 v10, v7  }
0x8c: {  	v10 =	vmpcnt.ones.xlane vm0;
	v13 =	vnsel vm1, $0x0, v13  }
0x8d: {  	vm0 =	vne.s32 v13, $0x0;
	[tilespmem:s21+$0x930] =	vst v13  }
.Ltmp3:
0x8e: {  	v10 =	vadd.s32 v10, v11;
	v11 =	vmpcnt.ones.xlane vm0;
	(pc) =	sbr.rel @p1 .LBB2_7-.Ltmp3, $4  }
0x8f: {  	v10 =	vadd.s32 v10, v12  }
0x90: {  	v11 =	vadd.s32 v10, v11  }
0x91: {  	s22 =	sadd.s32 $0x1, s22;
	vm2 =	vgt.s32 v11, v2;
	vm1 =	vgt.s32 v11, v5;
	vm0 =	vne.s32 v11, $0x0  }
0x92: {  	v10 =	vmov s22;
	v12 =	vsel vm2, $0x3F800000, v8;
	vm2 =	vgt.s32 v11, v7  }
0x93: {  	[tilespmem:s21+$0x1100] =	vst v12;
	v57 =	vsel vm1, $0x3F800000, v8  }
0x94: {  	vm10 =	vgt.s32 v11, v6;
	v58 =	vsel vm2, $0x3F800000, v8;
	[tilespmem:s21+$0x1110] =	vst v57  }
0x95: {  	v11 =	vsel vm10, $0x3F800000, v8;
	[tilespmem:s21+$0x1130] =	vst v58  }
0x96: {  	[tilespmem:s21+$0x1120] =	vst v11  }
0x97: {  	v11 =	vld.idx.msk [tilespmem:v10+s15+$0x0], $0xffff;
	_ =	sdelay $0x3  }
0x98: {  	v10 =	vadd.s32 $0x1, v10  }
0x99: {  	v59 =	vadd.s32 v2, v11  }
0x9a: {  	vm11 =	vlt.s32 v59, $0x800  }
0x9b: {  	v12 =	vnsel vm11, $0x800, v59;
	_ =	sdelay $0x1  }
0x9c: {  	v10 =	vld.idx.msk [tilespmem:v10+s15+$0x0], $0xffff;
	_ =	sdelay $0x2  }
0x9d: {  	v13 =	vadd.s32 v5, v11;
	v12 =	vld.idx.msk [tilespmem:v12+s2+$0x0], $0xffff  }
0x9e: {  	vm12 =	vlt.s32 v13, $0x800  }
0x9f: {  	v13 =	vnsel vm12, $0x800, v13;
	v10 =	vsub.s32 v10, v11  }
0xa0: {  	vm13 =	vne.s32 v10, $0x1;
	vm14 =	vgt.s32 v10, v2  }
0xa1: {  	vm1 =	vmand vm13, vm14  }
0xa2: {  	s20 =	sshra.s32 s20, $0x2;
	v12 =	vnsel vm1, $0x0, v12  }
0xa3: {  	[tilespmem:s20+$0x900] =	vst v12  }
0xa4: {  	v14 =	vadd.s32 v6, v11;
	v13 =	vld.idx.msk [tilespmem:v13+s2+$0x0], $0xffff  }
0xa5: {  	vm15 =	vlt.s32 v14, $0x800  }
0xa6: {  	v14 =	vnsel vm15, $0x800, v14;
	_ =	sdelay $0x1  }
0xa7: {  	vm4 =	vgt.s32 v10, v5  }
0xa8: {  	v13 =	vnsel vm4, $0x0, v13  }
0xa9: {  	[tilespmem:s20+$0x910] =	vst v13  }
0xaa: {  	v11 =	vadd.s32 v7, v11;
	v14 =	vld.idx.msk [tilespmem:v14+s2+$0x0], $0xffff  }
0xab: {  	vm5 =	vlt.s32 v11, $0x800  }
0xac: {  	v11 =	vnsel vm5, $0x800, v11;
	_ =	sdelay $0x1  }
0xad: {  	vm6 =	vgt.s32 v10, v6  }
0xae: {  	v14 =	vnsel vm6, $0x0, v14  }
0xaf: {  	[tilespmem:s20+$0x920] =	vst v14  }
0xb0: {  	v11 =	vld.idx.msk [tilespmem:v11+s2+$0x0], $0xffff;
	_ =	sdelay $0x2  }
0xb1: {  	vm8 =	vne.s32 v12, $0x0  }
0xb2: {  	vm9 =	vgt.s32 v10, v7;
	v10 =	vmpcnt.ones.xlane vm8;
	vm7 =	vne.s32 v13, $0x0  }
0xb3: {  	v60 =	vmpcnt.ones.xlane vm7;
	vm10 =	vne.s32 v14, $0x0;
	v11 =	vnsel vm9, $0x0, v11  }
0xb4: {  	v61 =	vmpcnt.ones.xlane vm10;
	vm1 =	vne.s32 v11, $0x0  }
0xb5: {  	v10 =	vadd.s32 v10, v60;
	v62 =	vmpcnt.ones.xlane vm1  }
0xb6: {  	v10 =	vadd.s32 v10, v61  }
0xb7: {  	v10 =	vadd.s32 v10, v62  }
0xb8: {  	vm11 =	vgt.s32 v10, v2  }
0xb9: {  	[tilespmem:s20+$0x930] =	vst v11;
	vm14 =	vgt.s32 v10, v7;
	v11 =	vsel vm11, $0x3F800000, v8  }
0xba: {  	vm12 =	vgt.s32 v10, v5;
	v63 =	vsel vm14, $0x3F800000, v8;
	[tilespmem:s20+$0x1100] =	vst v11  }
0xbb: {  	vm13 =	vgt.s32 v10, v6;
	v11 =	vsel vm12, $0x3F800000, v8;
	[tilespmem:s20+$0x1130] =	vst v63  }
0xbc: {  	[tilespmem:s20+$0x1110] =	vst v11;
	v11 =	vsel vm13, $0x3F800000, v8  }
0xbd: {  	[tilespmem:s20+$0x1120] =	vst v11  }
0xbe: {  	vm15 =	vne.s32 v10, $0x0;
	v11 =	vsel vm0, $0x1, v0;
	[hbm4b:s6+s2] =	stream.linear.scatter [tilespmem:s16], [sflag:$0x1], $0x800, $0x38;
	[tilespmem:$0x1988] =	vst v63  }
0xbf: {  	v10 =	vsel vm15, $0x1, v0;
	v9 =	vadd.s32 v11, v9  }
0xc0: {  	v9 =	vadd.s32 v10, v9;
	[hbm4b:s7+s2] =	stream.linear.scatter [tilespmem:s17], [sflag:$0x2], $0x800, $0x38;
	[tilespmem:$0x1988] =	vst v63  }
0xc1: {  	[tilespmem:$0x880] =	vst v9  }
0xc2: {  	[spmem:s8] =	stream.linear.scatter [tilespmem:s15], [sflag:$0x3], $0x8, $0x38;
	[tilespmem:$0x1988] =	vst v63  }
0xc3: {  	_ =	swait.ge [sflag:s18], $0x8  }
0xc4: {  	[sflag:s18] =	ssyncset.done $0x0  }
0xc5: {  	[sflag:s18] =	ssyncadd.s32 $0xFFFFFFF8  }
0xc6: {  	_ =	swait.ge [sflag:s13], $0x800  }
0xc7: {  	[sflag:s13] =	ssyncset.done $0x0  }
0xc8: {  	[sflag:s13] =	ssyncadd.s32 $0xFFFFF800  }
0xc9: {  	_ =	swait.ge [sflag:s14], $0x800  }
0xca: {  	v9 =	vlaneseq.u32 @!p0;
	[sflag:s14] =	ssyncset.done $0x0  }
0xcb: {  	v9 =	vmul.u32 @!p0 $0x10, v9;
	[sflag:s14] =	ssyncadd.s32 $0xFFFFF800  }
0xcc: {  	s21 =	simm.s32 @!p0 $0x3;
	s20 =	simm.s32 @!p0 $0x1908;
	[bflag:$0x0] =	sbarrier.arrive $0xFFFF  }
0xcd: {  	v10 =	vor.u32 @!p0 $0x8, v9;
	[tilespmem:s20], [sflag:$0x3] =	stream.linear.gather @!p0 [spmem:s1], $0x80, $0x38;
	[tilespmem:$0x1988] =	vst v63  }
0xce: {  	_ =	swait.ge @!p0 [sflag:s21], $0x80  }
0xcf: {  	[sflag:s21] =	ssyncset.done @!p0 $0x0  }
0xd0: {  	[sflag:s21] =	ssyncadd.s32 @!p0 $0xFFFFFF80  }
0xd1: {  	v9 =	vld.idx.msk @!p0 [tilespmem:v9+s20+$0x0], $0xffff  }
0xd2: {  	v10 =	vld.idx.msk @!p0 [tilespmem:v10+s20+$0x0], $0xffff;
	_ =	sdelay $0x3  }
0xd3: {  	s19 =	sadd.s32 $0x1, s19  }
0xd4: {  	p1 =	sne.s32 s19, s10;
	v9 =	vadd.s32 @!p0 v9, v10  }
.Ltmp4:
0xd5: {  	s22 =	simm.s32 @!p0 $0x0;
	[tilespmem:$0x1908] =	vst @!p0 v9;
	(pc) =	sbr.rel @p1 .LBB2_1-.Ltmp4, $4  }
0xd6: {  	[hbm4b:s9+s22] =	stream.linear.scatter @!p0 [tilespmem:s20], [sflag:$0x3], $0x8, $0x38;
	[tilespmem:$0x1988] =	vst v63  }
0xd7: {  	_ =	swait.ge @!p0 [sflag:s21], $0x8  }
0xd8: {  	[sflag:s21] =	ssyncset.done @!p0 $0x0  }
0xd9: {  	[sflag:s21] =	ssyncadd.s32 @!p0 $0xFFFFFFF8  }
0xda: {  	_ =	sfence.sel $0x180000  }
0xdb: {  	[bflag:$0x0] =	sbarrier.arrive $0xFFFF  }
0xdc: {  	_ =	strace $0x90000047  }
0xdd: {  	s0 =	sadd.s32 @!p0 $0x100000, s0;
	[bflag:$0x2] =	sbarrier.arrive $0xFFFF  }
0xde: {  	[sflag:s0] =	ssyncadd.tile.s32 @!p0 $0x1;
	_ =	shalt  }
.Lfunc_end2:
_tile_overlayer_lowered:
.L_overlay_start_2:
0xdf: {  	(tag) =	ssettag $0x2  }
0xe0: {  	s0 =	rddreg [dreg:$0x0];
	s2 =	stileid.u32  }
0xe1: {  	s1 =	rddreg [dreg:$0x1];
	p0 =	sne.s32 s2, $0x0  }
0xe2: {  	s3 =	rddreg [dreg:$0x2];
	[bflag:$0x3] =	sbarrier.arrive $0xFFFF;
	s2 =	simm.s32 @!p0 $0x1C03  }
0xe3: {  	[timem:s3], [sflag:s2] =	dma.local @!p0 [hbm:s0], s1  }
0xe4: {  	s0 =	simm.s32 @!p0 $0x3  }
0xe5: {  	_ =	swait.ge @!p0 [sflag:s0], s1  }
0xe6: {  	s1 =	ssub.s32 @!p0 $0x0, s1;
	[sflag:s0] =	ssyncset.done @!p0 $0x0  }
0xe7: {  	[sflag:s0] =	ssyncadd.s32 @!p0 s1  }
0xe8: {  	[bflag:$0x3] =	sbarrier.arrive $0xFFFF  }
0xe9: {  	_ =	shalt  }

</sc_bundles>
